<compile_context>
chip_gen: v7x
topology: tpu7x:2x2x1
jax: 0.10.2.dev20260603
libtpu: 0.0.44.dev20260713+nightly
codegen_flags: <defaults>
</compile_context>

<pallas_src>
import functools

import jax
import jax.numpy as jnp
from jax import lax
from jax.experimental import pallas as pl
from jax.experimental.pallas import tpu as pltpu
from jax.experimental.pallas import tpu_sc as plsc

_NC = 2
_NS = 16
_NW = _NC * _NS

_D = 2048
_C = 8
_NBUF = 4


def _gather_kernel(B):
    b_per_w = B // _NW
    n_chunks = b_per_w // _C
    mesh = plsc.VectorSubcoreMesh(core_axis_name="c", subcore_axis_name="s")

    @functools.partial(
        pl.kernel,
        mesh=mesh,
        out_type=jax.ShapeDtypeStruct((B, _D), jnp.float32),
        scratch_types=[
            pltpu.VMEM((b_per_w,), jnp.int32),
            pltpu.VMEM((_NBUF, _C, _D), jnp.float32),
            pltpu.SemaphoreType.DMA,
            pltpu.SemaphoreType.DMA,
        ],
    )
    def k(idx_hbm, table_hbm, out_hbm, idx_v, rows_v, gsem, ssem):
        wid = lax.axis_index("s") * _NC + lax.axis_index("c")
        base = wid * b_per_w
        pltpu.sync_copy(idx_hbm.at[pl.ds(base, b_per_w)], idx_v)

        def gather_desc(ch, b):
            return pltpu.make_async_copy(
                table_hbm.at[idx_v.at[pl.ds(ch * _C, _C)]],
                rows_v.at[b],
                gsem,
            )

        def store_desc(ch, b):
            return pltpu.make_async_copy(
                rows_v.at[b],
                out_hbm.at[pl.ds(base + ch * _C, _C)],
                ssem,
            )

        for b in range(_NBUF):
            gather_desc(b, b).start()

        def body(it, carry):
            g = it * _NBUF
            for b in range(_NBUF):
                ch = g + b
                gather_desc(ch, b).wait()
                store_desc(ch, b).start()
            for b in range(_NBUF):
                ch = g + b
                nch = ch + _NBUF

                @pl.when(nch < n_chunks)
                def _():
                    store_desc(ch, b).wait()
                    gather_desc(nch, b).start()

            return carry

        lax.fori_loop(0, n_chunks // _NBUF, body, 0)
        for b in range(_NBUF):
            store_desc(0, b).wait()

    return k


@jax.jit
def kernel(x, table):
    B = x.shape[0] * x.shape[1]
    idx = x.reshape((B,)).astype(jnp.int32)
    out = _gather_kernel(B)(idx, table)
    return out.reshape(x.shape + (table.shape[1],))

# --- scband reference (transcript-rebuilt; emitter-appended) ---
"""Pipeline reference for scband-position-encoding-layer-33509334843938 (READ-ONLY COPY).

The authoritative reference and input builder live on the scoring server;
editing this copy changes nothing except your own understanding.
"""

import jax, jax.numpy as jnp
import numpy as np

N_POSITION = 8192
D_HID = 2048

def _sinusoid_table(n_position, d_hid):
    pos = np.arange(n_position, dtype=np.float64)[:, None]
    j = np.arange(d_hid, dtype=np.float64)[None, :]
    angle = pos / np.power(10000.0, 2 * (np.floor(j / 2)) / d_hid)
    table = np.zeros((n_position, d_hid), dtype=np.float64)
    table[:, 0::2] = np.sin(angle[:, 0::2])
    table[:, 1::2] = np.cos(angle[:, 1::2])
    return jnp.asarray(table, dtype=jnp.float32)

def setup_inputs(seed: int = 0) -> dict:
    key = jax.random.key(seed)
    x = jax.random.randint(key, (4, 8192), 0, N_POSITION, dtype=jnp.int64 if jax.config.jax_enable_x64 else jnp.int32)
    table = _sinusoid_table(N_POSITION, D_HID)
    return {"x": x, "table": table}

def reference(x, table):
    # nn.Embedding lookup: gather rows of the frozen sinusoid table
    return jnp.take(table, x, axis=0)

if __name__ == "__main__":
    import jax
    _d = setup_inputs()
    print(jax.jit(kernel)(*tuple(_d.values())))

</pallas_src>

<mosaic_0001>
#map = affine_map<(d0, d1) -> (0)>
#map1 = affine_map<(d0, d1) -> (0, 0)>
module attributes {stable_mosaic.version = 14 : i64} {
  func.func @k(%arg0: i32, %arg1: i32, %arg2: memref<32768xi32, #tpu.memory_space<hbm>>, %arg3: memref<8192x2048xf32, #tpu.memory_space<hbm>>, %arg4: memref<32768x2048xf32, #tpu.memory_space<hbm>>, %arg5: memref<1024xi32, #tpu.memory_space<vmem>>, %arg6: memref<4x8x2048xf32, #tpu.memory_space<vmem>>, %arg7: memref<!tpu.dma_semaphore, #tpu.memory_space<semaphore_mem>>, %arg8: memref<!tpu.dma_semaphore, #tpu.memory_space<semaphore_mem>>) attributes {dimension_semantics = [#tpu.dimension_semantics<core_parallel>, #tpu.dimension_semantics<subcore_parallel>], iteration_bounds = array<i64: 2, 16>, scalar_prefetch = 0 : i64, scratch_operands = 4 : i64, tpu.core_type = #tpu.core_type<sc_vector_subcore>, window_params = [{transform_indices = #map}, {transform_indices = #map1}, {transform_indices = #map1}]} {
    %mul3A = arith.constant 2 : i32
    %mul3A_0 = arith.muli %arg1, %mul3A : i32
    %add3A = arith.addi %mul3A_0, %arg0 : i32
    %mul3A_1 = arith.constant 1024 : i32
    %mul3A_2 = arith.muli %add3A, %mul3A_1 : i32
    "tpu.region"() ({
      %run_scoped3A = tpu.sem_alloc : memref<!tpu.dma_semaphore, #tpu.memory_space<semaphore_mem>>
      %dma_start3A_106 = tpu.memref_slice %arg2[%mul3A_2] : memref<32768xi32, #tpu.memory_space<hbm>> -> memref<1024xi32, #tpu.memory_space<hbm>>
      %dma_start3A_107 = tpu.memref_slice %arg2[%mul3A_2] : memref<32768xi32, #tpu.memory_space<hbm>> -> memref<1024xi32, #tpu.memory_space<hbm>>
      tpu.enqueue_dma source(%dma_start3A_107 : memref<1024xi32, #tpu.memory_space<hbm>>) target(%arg5 : memref<1024xi32, #tpu.memory_space<vmem>>) target_semaphore(%run_scoped3A : memref<!tpu.dma_semaphore, #tpu.memory_space<semaphore_mem>>)
      %dma_wait3A_108 = tpu.memref_slice %arg2[%mul3A_2] : memref<32768xi32, #tpu.memory_space<hbm>> -> memref<1024xi32, #tpu.memory_space<hbm>>
      %dma_wait3A_109 = tpu.memref_slice %arg2[%mul3A_2] : memref<32768xi32, #tpu.memory_space<hbm>> -> memref<1024xi32, #tpu.memory_space<hbm>>
      tpu.wait_dma2 semaphore(%run_scoped3A : memref<!tpu.dma_semaphore, #tpu.memory_space<semaphore_mem>>) src(%dma_wait3A_109 : memref<1024xi32, #tpu.memory_space<hbm>>) dst(%arg5 : memref<1024xi32, #tpu.memory_space<vmem>>)
      tpu.yield
    }) : () -> ()
    %dma_start3A = arith.constant 0 : i32
    %dma_start3A_3 = arith.constant 0 : i32
    %dma_start3A_4 = arith.constant 0 : i32
    %dma_start3A_5 = tpu.memref_slice %arg6[%dma_start3A, %dma_start3A_3, %dma_start3A_4] : memref<4x8x2048xf32, #tpu.memory_space<vmem>> -> memref<1x8x2048xf32, #tpu.memory_space<vmem>>
    %dma_start3A_6 = tpu.memref_squeeze %dma_start3A_5 : memref<1x8x2048xf32, #tpu.memory_space<vmem>> -> memref<8x2048xf32, #tpu.memory_space<vmem>>
    %dma_start3A_7 = arith.constant 0 : i32
    %dma_start3A_8 = tpu.memref_slice %arg5[%dma_start3A_7] : memref<1024xi32, #tpu.memory_space<vmem>> -> memref<8xi32, #tpu.memory_space<vmem>>
    %dma_start3A_9 = arith.constant 0 : i32
    %dma_start3A_10 = arith.constant 0 : i32
    %dma_start3A_11 = tpu.memref_slice %arg3[%dma_start3A_9, %dma_start3A_10] : memref<8192x2048xf32, #tpu.memory_space<hbm>> -> memref<8192x2048xf32, #tpu.memory_space<hbm>>
    tpu.enqueue_indirect_dma source(%dma_start3A_11 : memref<8192x2048xf32, #tpu.memory_space<hbm>>) target(%dma_start3A_6 : memref<8x2048xf32, #tpu.memory_space<vmem>>) offsets(%dma_start3A_8 : memref<8xi32, #tpu.memory_space<vmem>>) semaphore(%arg7 : memref<!tpu.dma_semaphore, #tpu.memory_space<semaphore_mem>>)
    %dma_start3A_12 = arith.constant 1 : i32
    %dma_start3A_13 = arith.constant 0 : i32
    %dma_start3A_14 = arith.constant 0 : i32
    %dma_start3A_15 = tpu.memref_slice %arg6[%dma_start3A_12, %dma_start3A_13, %dma_start3A_14] : memref<4x8x2048xf32, #tpu.memory_space<vmem>> -> memref<1x8x2048xf32, #tpu.memory_space<vmem>>
    %dma_start3A_16 = tpu.memref_squeeze %dma_start3A_15 : memref<1x8x2048xf32, #tpu.memory_space<vmem>> -> memref<8x2048xf32, #tpu.memory_space<vmem>>
    %dma_start3A_17 = arith.constant 8 : i32
    %dma_start3A_18 = tpu.memref_slice %arg5[%dma_start3A_17] : memref<1024xi32, #tpu.memory_space<vmem>> -> memref<8xi32, #tpu.memory_space<vmem>>
    %dma_start3A_19 = arith.constant 0 : i32
    %dma_start3A_20 = arith.constant 0 : i32
    %dma_start3A_21 = tpu.memref_slice %arg3[%dma_start3A_19, %dma_start3A_20] : memref<8192x2048xf32, #tpu.memory_space<hbm>> -> memref<8192x2048xf32, #tpu.memory_space<hbm>>
    tpu.enqueue_indirect_dma source(%dma_start3A_21 : memref<8192x2048xf32, #tpu.memory_space<hbm>>) target(%dma_start3A_16 : memref<8x2048xf32, #tpu.memory_space<vmem>>) offsets(%dma_start3A_18 : memref<8xi32, #tpu.memory_space<vmem>>) semaphore(%arg7 : memref<!tpu.dma_semaphore, #tpu.memory_space<semaphore_mem>>)
    %dma_start3A_22 = arith.constant 2 : i32
    %dma_start3A_23 = arith.constant 0 : i32
    %dma_start3A_24 = arith.constant 0 : i32
    %dma_start3A_25 = tpu.memref_slice %arg6[%dma_start3A_22, %dma_start3A_23, %dma_start3A_24] : memref<4x8x2048xf32, #tpu.memory_space<vmem>> -> memref<1x8x2048xf32, #tpu.memory_space<vmem>>
    %dma_start3A_26 = tpu.memref_squeeze %dma_start3A_25 : memref<1x8x2048xf32, #tpu.memory_space<vmem>> -> memref<8x2048xf32, #tpu.memory_space<vmem>>
    %dma_start3A_27 = arith.constant 16 : i32
    %dma_start3A_28 = tpu.memref_slice %arg5[%dma_start3A_27] : memref<1024xi32, #tpu.memory_space<vmem>> -> memref<8xi32, #tpu.memory_space<vmem>>
    %dma_start3A_29 = arith.constant 0 : i32
    %dma_start3A_30 = arith.constant 0 : i32
    %dma_start3A_31 = tpu.memref_slice %arg3[%dma_start3A_29, %dma_start3A_30] : memref<8192x2048xf32, #tpu.memory_space<hbm>> -> memref<8192x2048xf32, #tpu.memory_space<hbm>>
    tpu.enqueue_indirect_dma source(%dma_start3A_31 : memref<8192x2048xf32, #tpu.memory_space<hbm>>) target(%dma_start3A_26 : memref<8x2048xf32, #tpu.memory_space<vmem>>) offsets(%dma_start3A_28 : memref<8xi32, #tpu.memory_space<vmem>>) semaphore(%arg7 : memref<!tpu.dma_semaphore, #tpu.memory_space<semaphore_mem>>)
    %dma_start3A_32 = arith.constant 3 : i32
    %dma_start3A_33 = arith.constant 0 : i32
    %dma_start3A_34 = arith.constant 0 : i32
    %dma_start3A_35 = tpu.memref_slice %arg6[%dma_start3A_32, %dma_start3A_33, %dma_start3A_34] : memref<4x8x2048xf32, #tpu.memory_space<vmem>> -> memref<1x8x2048xf32, #tpu.memory_space<vmem>>
    %dma_start3A_36 = tpu.memref_squeeze %dma_start3A_35 : memref<1x8x2048xf32, #tpu.memory_space<vmem>> -> memref<8x2048xf32, #tpu.memory_space<vmem>>
    %dma_start3A_37 = arith.constant 24 : i32
    %dma_start3A_38 = tpu.memref_slice %arg5[%dma_start3A_37] : memref<1024xi32, #tpu.memory_space<vmem>> -> memref<8xi32, #tpu.memory_space<vmem>>
    %dma_start3A_39 = arith.constant 0 : i32
    %dma_start3A_40 = arith.constant 0 : i32
    %dma_start3A_41 = tpu.memref_slice %arg3[%dma_start3A_39, %dma_start3A_40] : memref<8192x2048xf32, #tpu.memory_space<hbm>> -> memref<8192x2048xf32, #tpu.memory_space<hbm>>
    tpu.enqueue_indirect_dma source(%dma_start3A_41 : memref<8192x2048xf32, #tpu.memory_space<hbm>>) target(%dma_start3A_36 : memref<8x2048xf32, #tpu.memory_space<vmem>>) offsets(%dma_start3A_38 : memref<8xi32, #tpu.memory_space<vmem>>) semaphore(%arg7 : memref<!tpu.dma_semaphore, #tpu.memory_space<semaphore_mem>>)
    %scan3A = arith.constant 0 : i32
    %scan3A_42 = arith.constant 0 : i32
    %scan3A_43 = arith.constant 32 : i32
    %scan3A_44 = arith.addi %scan3A_42, %scan3A_43 : i32
    %scan3A_45 = arith.constant 1 : i32
    scf.for %scan3A_106 = %scan3A_42 to %scan3A_44 step %scan3A_45  : i32 {
      %mul3A_107 = arith.constant 4 : i32
      %mul3A_108 = arith.muli %scan3A_106, %mul3A_107 : i32
      %add3A_109 = arith.constant 0 : i32
      %add3A_110 = arith.addi %mul3A_108, %add3A_109 : i32
      %mul3A_111 = arith.constant 8 : i32
      %mul3A_112 = arith.muli %add3A_110, %mul3A_111 : i32
      %dma_wait3A_113 = arith.constant 0 : i32
      %dma_wait3A_114 = arith.constant 0 : i32
      %dma_wait3A_115 = arith.constant 0 : i32
      %dma_wait3A_116 = tpu.memref_slice %arg6[%dma_wait3A_113, %dma_wait3A_114, %dma_wait3A_115] : memref<4x8x2048xf32, #tpu.memory_space<vmem>> -> memref<1x8x2048xf32, #tpu.memory_space<vmem>>
      %dma_wait3A_117 = tpu.memref_squeeze %dma_wait3A_116 : memref<1x8x2048xf32, #tpu.memory_space<vmem>> -> memref<8x2048xf32, #tpu.memory_space<vmem>>
      %dma_wait3A_118 = tpu.memref_slice %arg5[%mul3A_112] : memref<1024xi32, #tpu.memory_space<vmem>> -> memref<8xi32, #tpu.memory_space<vmem>>
      %dma_wait3A_119 = arith.constant 0 : i32
      %dma_wait3A_120 = arith.constant 0 : i32
      %dma_wait3A_121 = tpu.memref_slice %arg3[%dma_wait3A_119, %dma_wait3A_120] : memref<8192x2048xf32, #tpu.memory_space<hbm>> -> memref<8192x2048xf32, #tpu.memory_space<hbm>>
      tpu.wait_indirect_dma semaphore(%arg7 : memref<!tpu.dma_semaphore, #tpu.memory_space<semaphore_mem>>) src(%dma_wait3A_121 : memref<8192x2048xf32, #tpu.memory_space<hbm>>) dst(%dma_wait3A_117 : memref<8x2048xf32, #tpu.memory_space<vmem>>)
      %mul3A_122 = arith.constant 8 : i32
      %mul3A_123 = arith.muli %add3A_110, %mul3A_122 : i32
      %add3A_124 = arith.addi %mul3A_2, %mul3A_123 : i32
      %dma_start3A_125 = arith.constant 0 : i32
      %dma_start3A_126 = arith.constant 0 : i32
      %dma_start3A_127 = arith.constant 0 : i32
      %dma_start3A_128 = tpu.memref_slice %arg6[%dma_start3A_125, %dma_start3A_126, %dma_start3A_127] : memref<4x8x2048xf32, #tpu.memory_space<vmem>> -> memref<1x8x2048xf32, #tpu.memory_space<vmem>>
      %dma_start3A_129 = tpu.memref_squeeze %dma_start3A_128 : memref<1x8x2048xf32, #tpu.memory_space<vmem>> -> memref<8x2048xf32, #tpu.memory_space<vmem>>
      %dma_start3A_130 = arith.constant 0 : i32
      %dma_start3A_131 = tpu.memref_slice %arg4[%add3A_124, %dma_start3A_130] : memref<32768x2048xf32, #tpu.memory_space<hbm>> -> memref<8x2048xf32, #tpu.memory_space<hbm>>
      %dma_start3A_132 = arith.constant 0 : i32
      %dma_start3A_133 = tpu.memref_slice %arg4[%add3A_124, %dma_start3A_132] : memref<32768x2048xf32, #tpu.memory_space<hbm>> -> memref<8x2048xf32, #tpu.memory_space<hbm>>
      %dma_start3A_134 = arith.constant 0 : i32
      %dma_start3A_135 = arith.constant 0 : i32
      %dma_start3A_136 = tpu.memref_slice %arg6[%dma_start3A_125, %dma_start3A_134, %dma_start3A_135] : memref<4x8x2048xf32, #tpu.memory_space<vmem>> -> memref<1x8x2048xf32, #tpu.memory_space<vmem>>
      %dma_start3A_137 = tpu.memref_squeeze %dma_start3A_136 : memref<1x8x2048xf32, #tpu.memory_space<vmem>> -> memref<8x2048xf32, #tpu.memory_space<vmem>>
      tpu.enqueue_dma source(%dma_start3A_137 : memref<8x2048xf32, #tpu.memory_space<vmem>>) target(%dma_start3A_133 : memref<8x2048xf32, #tpu.memory_space<hbm>>) target_semaphore(%arg8 : memref<!tpu.dma_semaphore, #tpu.memory_space<semaphore_mem>>)
      %add3A_138 = arith.constant 1 : i32
      %add3A_139 = arith.addi %mul3A_108, %add3A_138 : i32
      %mul3A_140 = arith.constant 8 : i32
      %mul3A_141 = arith.muli %add3A_139, %mul3A_140 : i32
      %dma_wait3A_142 = arith.constant 1 : i32
      %dma_wait3A_143 = arith.constant 0 : i32
      %dma_wait3A_144 = arith.constant 0 : i32
      %dma_wait3A_145 = tpu.memref_slice %arg6[%dma_wait3A_142, %dma_wait3A_143, %dma_wait3A_144] : memref<4x8x2048xf32, #tpu.memory_space<vmem>> -> memref<1x8x2048xf32, #tpu.memory_space<vmem>>
      %dma_wait3A_146 = tpu.memref_squeeze %dma_wait3A_145 : memref<1x8x2048xf32, #tpu.memory_space<vmem>> -> memref<8x2048xf32, #tpu.memory_space<vmem>>
      %dma_wait3A_147 = tpu.memref_slice %arg5[%mul3A_141] : memref<1024xi32, #tpu.memory_space<vmem>> -> memref<8xi32, #tpu.memory_space<vmem>>
      %dma_wait3A_148 = arith.constant 0 : i32
      %dma_wait3A_149 = arith.constant 0 : i32
      %dma_wait3A_150 = tpu.memref_slice %arg3[%dma_wait3A_148, %dma_wait3A_149] : memref<8192x2048xf32, #tpu.memory_space<hbm>> -> memref<8192x2048xf32, #tpu.memory_space<hbm>>
      tpu.wait_indirect_dma semaphore(%arg7 : memref<!tpu.dma_semaphore, #tpu.memory_space<semaphore_mem>>) src(%dma_wait3A_150 : memref<8192x2048xf32, #tpu.memory_space<hbm>>) dst(%dma_wait3A_146 : memref<8x2048xf32, #tpu.memory_space<vmem>>)
      %mul3A_151 = arith.constant 8 : i32
      %mul3A_152 = arith.muli %add3A_139, %mul3A_151 : i32
      %add3A_153 = arith.addi %mul3A_2, %mul3A_152 : i32
      %dma_start3A_154 = arith.constant 1 : i32
      %dma_start3A_155 = arith.constant 0 : i32
      %dma_start3A_156 = arith.constant 0 : i32
      %dma_start3A_157 = tpu.memref_slice %arg6[%dma_start3A_154, %dma_start3A_155, %dma_start3A_156] : memref<4x8x2048xf32, #tpu.memory_space<vmem>> -> memref<1x8x2048xf32, #tpu.memory_space<vmem>>
      %dma_start3A_158 = tpu.memref_squeeze %dma_start3A_157 : memref<1x8x2048xf32, #tpu.memory_space<vmem>> -> memref<8x2048xf32, #tpu.memory_space<vmem>>
      %dma_start3A_159 = arith.constant 0 : i32
      %dma_start3A_160 = tpu.memref_slice %arg4[%add3A_153, %dma_start3A_159] : memref<32768x2048xf32, #tpu.memory_space<hbm>> -> memref<8x2048xf32, #tpu.memory_space<hbm>>
      %dma_start3A_161 = arith.constant 0 : i32
      %dma_start3A_162 = tpu.memref_slice %arg4[%add3A_153, %dma_start3A_161] : memref<32768x2048xf32, #tpu.memory_space<hbm>> -> memref<8x2048xf32, #tpu.memory_space<hbm>>
      %dma_start3A_163 = arith.constant 0 : i32
      %dma_start3A_164 = arith.constant 0 : i32
      %dma_start3A_165 = tpu.memref_slice %arg6[%dma_start3A_154, %dma_start3A_163, %dma_start3A_164] : memref<4x8x2048xf32, #tpu.memory_space<vmem>> -> memref<1x8x2048xf32, #tpu.memory_space<vmem>>
      %dma_start3A_166 = tpu.memref_squeeze %dma_start3A_165 : memref<1x8x2048xf32, #tpu.memory_space<vmem>> -> memref<8x2048xf32, #tpu.memory_space<vmem>>
      tpu.enqueue_dma source(%dma_start3A_166 : memref<8x2048xf32, #tpu.memory_space<vmem>>) target(%dma_start3A_162 : memref<8x2048xf32, #tpu.memory_space<hbm>>) target_semaphore(%arg8 : memref<!tpu.dma_semaphore, #tpu.memory_space<semaphore_mem>>)
      %add3A_167 = arith.constant 2 : i32
      %add3A_168 = arith.addi %mul3A_108, %add3A_167 : i32
      %mul3A_169 = arith.constant 8 : i32
      %mul3A_170 = arith.muli %add3A_168, %mul3A_169 : i32
      %dma_wait3A_171 = arith.constant 2 : i32
      %dma_wait3A_172 = arith.constant 0 : i32
      %dma_wait3A_173 = arith.constant 0 : i32
      %dma_wait3A_174 = tpu.memref_slice %arg6[%dma_wait3A_171, %dma_wait3A_172, %dma_wait3A_173] : memref<4x8x2048xf32, #tpu.memory_space<vmem>> -> memref<1x8x2048xf32, #tpu.memory_space<vmem>>
      %dma_wait3A_175 = tpu.memref_squeeze %dma_wait3A_174 : memref<1x8x2048xf32, #tpu.memory_space<vmem>> -> memref<8x2048xf32, #tpu.memory_space<vmem>>
      %dma_wait3A_176 = tpu.memref_slice %arg5[%mul3A_170] : memref<1024xi32, #tpu.memory_space<vmem>> -> memref<8xi32, #tpu.memory_space<vmem>>
      %dma_wait3A_177 = arith.constant 0 : i32
      %dma_wait3A_178 = arith.constant 0 : i32
      %dma_wait3A_179 = tpu.memref_slice %arg3[%dma_wait3A_177, %dma_wait3A_178] : memref<8192x2048xf32, #tpu.memory_space<hbm>> -> memref<8192x2048xf32, #tpu.memory_space<hbm>>
      tpu.wait_indirect_dma semaphore(%arg7 : memref<!tpu.dma_semaphore, #tpu.memory_space<semaphore_mem>>) src(%dma_wait3A_179 : memref<8192x2048xf32, #tpu.memory_space<hbm>>) dst(%dma_wait3A_175 : memref<8x2048xf32, #tpu.memory_space<vmem>>)
      %mul3A_180 = arith.constant 8 : i32
      %mul3A_181 = arith.muli %add3A_168, %mul3A_180 : i32
      %add3A_182 = arith.addi %mul3A_2, %mul3A_181 : i32
      %dma_start3A_183 = arith.constant 2 : i32
      %dma_start3A_184 = arith.constant 0 : i32
      %dma_start3A_185 = arith.constant 0 : i32
      %dma_start3A_186 = tpu.memref_slice %arg6[%dma_start3A_183, %dma_start3A_184, %dma_start3A_185] : memref<4x8x2048xf32, #tpu.memory_space<vmem>> -> memref<1x8x2048xf32, #tpu.memory_space<vmem>>
      %dma_start3A_187 = tpu.memref_squeeze %dma_start3A_186 : memref<1x8x2048xf32, #tpu.memory_space<vmem>> -> memref<8x2048xf32, #tpu.memory_space<vmem>>
      %dma_start3A_188 = arith.constant 0 : i32
      %dma_start3A_189 = tpu.memref_slice %arg4[%add3A_182, %dma_start3A_188] : memref<32768x2048xf32, #tpu.memory_space<hbm>> -> memref<8x2048xf32, #tpu.memory_space<hbm>>
      %dma_start3A_190 = arith.constant 0 : i32
      %dma_start3A_191 = tpu.memref_slice %arg4[%add3A_182, %dma_start3A_190] : memref<32768x2048xf32, #tpu.memory_space<hbm>> -> memref<8x2048xf32, #tpu.memory_space<hbm>>
      %dma_start3A_192 = arith.constant 0 : i32
      %dma_start3A_193 = arith.constant 0 : i32
      %dma_start3A_194 = tpu.memref_slice %arg6[%dma_start3A_183, %dma_start3A_192, %dma_start3A_193] : memref<4x8x2048xf32, #tpu.memory_space<vmem>> -> memref<1x8x2048xf32, #tpu.memory_space<vmem>>
      %dma_start3A_195 = tpu.memref_squeeze %dma_start3A_194 : memref<1x8x2048xf32, #tpu.memory_space<vmem>> -> memref<8x2048xf32, #tpu.memory_space<vmem>>
      tpu.enqueue_dma source(%dma_start3A_195 : memref<8x2048xf32, #tpu.memory_space<vmem>>) target(%dma_start3A_191 : memref<8x2048xf32, #tpu.memory_space<hbm>>) target_semaphore(%arg8 : memref<!tpu.dma_semaphore, #tpu.memory_space<semaphore_mem>>)
      %add3A_196 = arith.constant 3 : i32
      %add3A_197 = arith.addi %mul3A_108, %add3A_196 : i32
      %mul3A_198 = arith.constant 8 : i32
      %mul3A_199 = arith.muli %add3A_197, %mul3A_198 : i32
      %dma_wait3A_200 = arith.constant 3 : i32
      %dma_wait3A_201 = arith.constant 0 : i32
      %dma_wait3A_202 = arith.constant 0 : i32
      %dma_wait3A_203 = tpu.memref_slice %arg6[%dma_wait3A_200, %dma_wait3A_201, %dma_wait3A_202] : memref<4x8x2048xf32, #tpu.memory_space<vmem>> -> memref<1x8x2048xf32, #tpu.memory_space<vmem>>
      %dma_wait3A_204 = tpu.memref_squeeze %dma_wait3A_203 : memref<1x8x2048xf32, #tpu.memory_space<vmem>> -> memref<8x2048xf32, #tpu.memory_space<vmem>>
      %dma_wait3A_205 = tpu.memref_slice %arg5[%mul3A_199] : memref<1024xi32, #tpu.memory_space<vmem>> -> memref<8xi32, #tpu.memory_space<vmem>>
      %dma_wait3A_206 = arith.constant 0 : i32
      %dma_wait3A_207 = arith.constant 0 : i32
      %dma_wait3A_208 = tpu.memref_slice %arg3[%dma_wait3A_206, %dma_wait3A_207] : memref<8192x2048xf32, #tpu.memory_space<hbm>> -> memref<8192x2048xf32, #tpu.memory_space<hbm>>
      tpu.wait_indirect_dma semaphore(%arg7 : memref<!tpu.dma_semaphore, #tpu.memory_space<semaphore_mem>>) src(%dma_wait3A_208 : memref<8192x2048xf32, #tpu.memory_space<hbm>>) dst(%dma_wait3A_204 : memref<8x2048xf32, #tpu.memory_space<vmem>>)
      %mul3A_209 = arith.constant 8 : i32
      %mul3A_210 = arith.muli %add3A_197, %mul3A_209 : i32
      %add3A_211 = arith.addi %mul3A_2, %mul3A_210 : i32
      %dma_start3A_212 = arith.constant 3 : i32
      %dma_start3A_213 = arith.constant 0 : i32
      %dma_start3A_214 = arith.constant 0 : i32
      %dma_start3A_215 = tpu.memref_slice %arg6[%dma_start3A_212, %dma_start3A_213, %dma_start3A_214] : memref<4x8x2048xf32, #tpu.memory_space<vmem>> -> memref<1x8x2048xf32, #tpu.memory_space<vmem>>
      %dma_start3A_216 = tpu.memref_squeeze %dma_start3A_215 : memref<1x8x2048xf32, #tpu.memory_space<vmem>> -> memref<8x2048xf32, #tpu.memory_space<vmem>>
      %dma_start3A_217 = arith.constant 0 : i32
      %dma_start3A_218 = tpu.memref_slice %arg4[%add3A_211, %dma_start3A_217] : memref<32768x2048xf32, #tpu.memory_space<hbm>> -> memref<8x2048xf32, #tpu.memory_space<hbm>>
      %dma_start3A_219 = arith.constant 0 : i32
      %dma_start3A_220 = tpu.memref_slice %arg4[%add3A_211, %dma_start3A_219] : memref<32768x2048xf32, #tpu.memory_space<hbm>> -> memref<8x2048xf32, #tpu.memory_space<hbm>>
      %dma_start3A_221 = arith.constant 0 : i32
      %dma_start3A_222 = arith.constant 0 : i32
      %dma_start3A_223 = tpu.memref_slice %arg6[%dma_start3A_212, %dma_start3A_221, %dma_start3A_222] : memref<4x8x2048xf32, #tpu.memory_space<vmem>> -> memref<1x8x2048xf32, #tpu.memory_space<vmem>>
      %dma_start3A_224 = tpu.memref_squeeze %dma_start3A_223 : memref<1x8x2048xf32, #tpu.memory_space<vmem>> -> memref<8x2048xf32, #tpu.memory_space<vmem>>
      tpu.enqueue_dma source(%dma_start3A_224 : memref<8x2048xf32, #tpu.memory_space<vmem>>) target(%dma_start3A_220 : memref<8x2048xf32, #tpu.memory_space<hbm>>) target_semaphore(%arg8 : memref<!tpu.dma_semaphore, #tpu.memory_space<semaphore_mem>>)
      %add3A_225 = arith.constant 0 : i32
      %add3A_226 = arith.addi %mul3A_108, %add3A_225 : i32
      %add3A_227 = arith.constant 4 : i32
      %add3A_228 = arith.addi %add3A_226, %add3A_227 : i32
      %lt3A = arith.constant 128 : i32
      %lt3A_229 = arith.cmpi slt, %add3A_228, %lt3A : i32
      %convert_element_type3A = arith.extui %lt3A_229 : i1 to i32
      %cond3A = arith.constant 0 : i32
      %cond3A_230 = arith.cmpi ne, %convert_element_type3A, %cond3A : i32
      scf.if %cond3A_230 {
        %mul3A_258 = arith.constant 8 : i32
        %mul3A_259 = arith.muli %add3A_226, %mul3A_258 : i32
        %add3A_260 = arith.addi %mul3A_2, %mul3A_259 : i32
        %dma_wait3A_261 = arith.constant 0 : i32
        %dma_wait3A_262 = arith.constant 0 : i32
        %dma_wait3A_263 = arith.constant 0 : i32
        %dma_wait3A_264 = tpu.memref_slice %arg6[%dma_wait3A_261, %dma_wait3A_262, %dma_wait3A_263] : memref<4x8x2048xf32, #tpu.memory_space<vmem>> -> memref<1x8x2048xf32, #tpu.memory_space<vmem>>
        %dma_wait3A_265 = tpu.memref_squeeze %dma_wait3A_264 : memref<1x8x2048xf32, #tpu.memory_space<vmem>> -> memref<8x2048xf32, #tpu.memory_space<vmem>>
        %dma_wait3A_266 = arith.constant 0 : i32
        %dma_wait3A_267 = tpu.memref_slice %arg4[%add3A_260, %dma_wait3A_266] : memref<32768x2048xf32, #tpu.memory_space<hbm>> -> memref<8x2048xf32, #tpu.memory_space<hbm>>
        %dma_wait3A_268 = arith.constant 0 : i32
        %dma_wait3A_269 = tpu.memref_slice %arg4[%add3A_260, %dma_wait3A_268] : memref<32768x2048xf32, #tpu.memory_space<hbm>> -> memref<8x2048xf32, #tpu.memory_space<hbm>>
        %dma_wait3A_270 = arith.constant 0 : i32
        %dma_wait3A_271 = arith.constant 0 : i32
        %dma_wait3A_272 = tpu.memref_slice %arg6[%dma_wait3A_261, %dma_wait3A_270, %dma_wait3A_271] : memref<4x8x2048xf32, #tpu.memory_space<vmem>> -> memref<1x8x2048xf32, #tpu.memory_space<vmem>>
        %dma_wait3A_273 = tpu.memref_squeeze %dma_wait3A_272 : memref<1x8x2048xf32, #tpu.memory_space<vmem>> -> memref<8x2048xf32, #tpu.memory_space<vmem>>
        tpu.wait_dma2 semaphore(%arg8 : memref<!tpu.dma_semaphore, #tpu.memory_space<semaphore_mem>>) src(%dma_wait3A_273 : memref<8x2048xf32, #tpu.memory_space<vmem>>) dst(%dma_wait3A_269 : memref<8x2048xf32, #tpu.memory_space<hbm>>)
        %mul3A_274 = arith.constant 8 : i32
        %mul3A_275 = arith.muli %add3A_228, %mul3A_274 : i32
        %dma_start3A_276 = arith.constant 0 : i32
        %dma_start3A_277 = arith.constant 0 : i32
        %dma_start3A_278 = arith.constant 0 : i32
        %dma_start3A_279 = tpu.memref_slice %arg6[%dma_start3A_276, %dma_start3A_277, %dma_start3A_278] : memref<4x8x2048xf32, #tpu.memory_space<vmem>> -> memref<1x8x2048xf32, #tpu.memory_space<vmem>>
        %dma_start3A_280 = tpu.memref_squeeze %dma_start3A_279 : memref<1x8x2048xf32, #tpu.memory_space<vmem>> -> memref<8x2048xf32, #tpu.memory_space<vmem>>
        %dma_start3A_281 = tpu.memref_slice %arg5[%mul3A_275] : memref<1024xi32, #tpu.memory_space<vmem>> -> memref<8xi32, #tpu.memory_space<vmem>>
        %dma_start3A_282 = arith.constant 0 : i32
        %dma_start3A_283 = arith.constant 0 : i32
        %dma_start3A_284 = tpu.memref_slice %arg3[%dma_start3A_282, %dma_start3A_283] : memref<8192x2048xf32, #tpu.memory_space<hbm>> -> memref<8192x2048xf32, #tpu.memory_space<hbm>>
        tpu.enqueue_indirect_dma source(%dma_start3A_284 : memref<8192x2048xf32, #tpu.memory_space<hbm>>) target(%dma_start3A_280 : memref<8x2048xf32, #tpu.memory_space<vmem>>) offsets(%dma_start3A_281 : memref<8xi32, #tpu.memory_space<vmem>>) semaphore(%arg7 : memref<!tpu.dma_semaphore, #tpu.memory_space<semaphore_mem>>)
      } else {
      }
      %add3A_231 = arith.constant 1 : i32
      %add3A_232 = arith.addi %mul3A_108, %add3A_231 : i32
      %add3A_233 = arith.constant 4 : i32
      %add3A_234 = arith.addi %add3A_232, %add3A_233 : i32
      %lt3A_235 = arith.constant 128 : i32
      %lt3A_236 = arith.cmpi slt, %add3A_234, %lt3A_235 : i32
      %convert_element_type3A_237 = arith.extui %lt3A_236 : i1 to i32
      %cond3A_238 = arith.constant 0 : i32
      %cond3A_239 = arith.cmpi ne, %convert_element_type3A_237, %cond3A_238 : i32
      scf.if %cond3A_239 {
        %mul3A_258 = arith.constant 8 : i32
        %mul3A_259 = arith.muli %add3A_232, %mul3A_258 : i32
        %add3A_260 = arith.addi %mul3A_2, %mul3A_259 : i32
        %dma_wait3A_261 = arith.constant 1 : i32
        %dma_wait3A_262 = arith.constant 0 : i32
        %dma_wait3A_263 = arith.constant 0 : i32
        %dma_wait3A_264 = tpu.memref_slice %arg6[%dma_wait3A_261, %dma_wait3A_262, %dma_wait3A_263] : memref<4x8x2048xf32, #tpu.memory_space<vmem>> -> memref<1x8x2048xf32, #tpu.memory_space<vmem>>
        %dma_wait3A_265 = tpu.memref_squeeze %dma_wait3A_264 : memref<1x8x2048xf32, #tpu.memory_space<vmem>> -> memref<8x2048xf32, #tpu.memory_space<vmem>>
        %dma_wait3A_266 = arith.constant 0 : i32
        %dma_wait3A_267 = tpu.memref_slice %arg4[%add3A_260, %dma_wait3A_266] : memref<32768x2048xf32, #tpu.memory_space<hbm>> -> memref<8x2048xf32, #tpu.memory_space<hbm>>
        %dma_wait3A_268 = arith.constant 0 : i32
        %dma_wait3A_269 = tpu.memref_slice %arg4[%add3A_260, %dma_wait3A_268] : memref<32768x2048xf32, #tpu.memory_space<hbm>> -> memref<8x2048xf32, #tpu.memory_space<hbm>>
        %dma_wait3A_270 = arith.constant 0 : i32
        %dma_wait3A_271 = arith.constant 0 : i32
        %dma_wait3A_272 = tpu.memref_slice %arg6[%dma_wait3A_261, %dma_wait3A_270, %dma_wait3A_271] : memref<4x8x2048xf32, #tpu.memory_space<vmem>> -> memref<1x8x2048xf32, #tpu.memory_space<vmem>>
        %dma_wait3A_273 = tpu.memref_squeeze %dma_wait3A_272 : memref<1x8x2048xf32, #tpu.memory_space<vmem>> -> memref<8x2048xf32, #tpu.memory_space<vmem>>
        tpu.wait_dma2 semaphore(%arg8 : memref<!tpu.dma_semaphore, #tpu.memory_space<semaphore_mem>>) src(%dma_wait3A_273 : memref<8x2048xf32, #tpu.memory_space<vmem>>) dst(%dma_wait3A_269 : memref<8x2048xf32, #tpu.memory_space<hbm>>)
        %mul3A_274 = arith.constant 8 : i32
        %mul3A_275 = arith.muli %add3A_234, %mul3A_274 : i32
        %dma_start3A_276 = arith.constant 1 : i32
        %dma_start3A_277 = arith.constant 0 : i32
        %dma_start3A_278 = arith.constant 0 : i32
        %dma_start3A_279 = tpu.memref_slice %arg6[%dma_start3A_276, %dma_start3A_277, %dma_start3A_278] : memref<4x8x2048xf32, #tpu.memory_space<vmem>> -> memref<1x8x2048xf32, #tpu.memory_space<vmem>>
        %dma_start3A_280 = tpu.memref_squeeze %dma_start3A_279 : memref<1x8x2048xf32, #tpu.memory_space<vmem>> -> memref<8x2048xf32, #tpu.memory_space<vmem>>
        %dma_start3A_281 = tpu.memref_slice %arg5[%mul3A_275] : memref<1024xi32, #tpu.memory_space<vmem>> -> memref<8xi32, #tpu.memory_space<vmem>>
        %dma_start3A_282 = arith.constant 0 : i32
        %dma_start3A_283 = arith.constant 0 : i32
        %dma_start3A_284 = tpu.memref_slice %arg3[%dma_start3A_282, %dma_start3A_283] : memref<8192x2048xf32, #tpu.memory_space<hbm>> -> memref<8192x2048xf32, #tpu.memory_space<hbm>>
        tpu.enqueue_indirect_dma source(%dma_start3A_284 : memref<8192x2048xf32, #tpu.memory_space<hbm>>) target(%dma_start3A_280 : memref<8x2048xf32, #tpu.memory_space<vmem>>) offsets(%dma_start3A_281 : memref<8xi32, #tpu.memory_space<vmem>>) semaphore(%arg7 : memref<!tpu.dma_semaphore, #tpu.memory_space<semaphore_mem>>)
      } else {
      }
      %add3A_240 = arith.constant 2 : i32
      %add3A_241 = arith.addi %mul3A_108, %add3A_240 : i32
      %add3A_242 = arith.constant 4 : i32
      %add3A_243 = arith.addi %add3A_241, %add3A_242 : i32
      %lt3A_244 = arith.constant 128 : i32
      %lt3A_245 = arith.cmpi slt, %add3A_243, %lt3A_244 : i32
      %convert_element_type3A_246 = arith.extui %lt3A_245 : i1 to i32
      %cond3A_247 = arith.constant 0 : i32
      %cond3A_248 = arith.cmpi ne, %convert_element_type3A_246, %cond3A_247 : i32
      scf.if %cond3A_248 {
        %mul3A_258 = arith.constant 8 : i32
        %mul3A_259 = arith.muli %add3A_241, %mul3A_258 : i32
        %add3A_260 = arith.addi %mul3A_2, %mul3A_259 : i32
        %dma_wait3A_261 = arith.constant 2 : i32
        %dma_wait3A_262 = arith.constant 0 : i32
        %dma_wait3A_263 = arith.constant 0 : i32
        %dma_wait3A_264 = tpu.memref_slice %arg6[%dma_wait3A_261, %dma_wait3A_262, %dma_wait3A_263] : memref<4x8x2048xf32, #tpu.memory_space<vmem>> -> memref<1x8x2048xf32, #tpu.memory_space<vmem>>
        %dma_wait3A_265 = tpu.memref_squeeze %dma_wait3A_264 : memref<1x8x2048xf32, #tpu.memory_space<vmem>> -> memref<8x2048xf32, #tpu.memory_space<vmem>>
        %dma_wait3A_266 = arith.constant 0 : i32
        %dma_wait3A_267 = tpu.memref_slice %arg4[%add3A_260, %dma_wait3A_266] : memref<32768x2048xf32, #tpu.memory_space<hbm>> -> memref<8x2048xf32, #tpu.memory_space<hbm>>
        %dma_wait3A_268 = arith.constant 0 : i32
        %dma_wait3A_269 = tpu.memref_slice %arg4[%add3A_260, %dma_wait3A_268] : memref<32768x2048xf32, #tpu.memory_space<hbm>> -> memref<8x2048xf32, #tpu.memory_space<hbm>>
        %dma_wait3A_270 = arith.constant 0 : i32
        %dma_wait3A_271 = arith.constant 0 : i32
        %dma_wait3A_272 = tpu.memref_slice %arg6[%dma_wait3A_261, %dma_wait3A_270, %dma_wait3A_271] : memref<4x8x2048xf32, #tpu.memory_space<vmem>> -> memref<1x8x2048xf32, #tpu.memory_space<vmem>>
        %dma_wait3A_273 = tpu.memref_squeeze %dma_wait3A_272 : memref<1x8x2048xf32, #tpu.memory_space<vmem>> -> memref<8x2048xf32, #tpu.memory_space<vmem>>
        tpu.wait_dma2 semaphore(%arg8 : memref<!tpu.dma_semaphore, #tpu.memory_space<semaphore_mem>>) src(%dma_wait3A_273 : memref<8x2048xf32, #tpu.memory_space<vmem>>) dst(%dma_wait3A_269 : memref<8x2048xf32, #tpu.memory_space<hbm>>)
        %mul3A_274 = arith.constant 8 : i32
        %mul3A_275 = arith.muli %add3A_243, %mul3A_274 : i32
        %dma_start3A_276 = arith.constant 2 : i32
        %dma_start3A_277 = arith.constant 0 : i32
        %dma_start3A_278 = arith.constant 0 : i32
        %dma_start3A_279 = tpu.memref_slice %arg6[%dma_start3A_276, %dma_start3A_277, %dma_start3A_278] : memref<4x8x2048xf32, #tpu.memory_space<vmem>> -> memref<1x8x2048xf32, #tpu.memory_space<vmem>>
        %dma_start3A_280 = tpu.memref_squeeze %dma_start3A_279 : memref<1x8x2048xf32, #tpu.memory_space<vmem>> -> memref<8x2048xf32, #tpu.memory_space<vmem>>
        %dma_start3A_281 = tpu.memref_slice %arg5[%mul3A_275] : memref<1024xi32, #tpu.memory_space<vmem>> -> memref<8xi32, #tpu.memory_space<vmem>>
        %dma_start3A_282 = arith.constant 0 : i32
        %dma_start3A_283 = arith.constant 0 : i32
        %dma_start3A_284 = tpu.memref_slice %arg3[%dma_start3A_282, %dma_start3A_283] : memref<8192x2048xf32, #tpu.memory_space<hbm>> -> memref<8192x2048xf32, #tpu.memory_space<hbm>>
        tpu.enqueue_indirect_dma source(%dma_start3A_284 : memref<8192x2048xf32, #tpu.memory_space<hbm>>) target(%dma_start3A_280 : memref<8x2048xf32, #tpu.memory_space<vmem>>) offsets(%dma_start3A_281 : memref<8xi32, #tpu.memory_space<vmem>>) semaphore(%arg7 : memref<!tpu.dma_semaphore, #tpu.memory_space<semaphore_mem>>)
      } else {
      }
      %add3A_249 = arith.constant 3 : i32
      %add3A_250 = arith.addi %mul3A_108, %add3A_249 : i32
      %add3A_251 = arith.constant 4 : i32
      %add3A_252 = arith.addi %add3A_250, %add3A_251 : i32
      %lt3A_253 = arith.constant 128 : i32
      %lt3A_254 = arith.cmpi slt, %add3A_252, %lt3A_253 : i32
      %convert_element_type3A_255 = arith.extui %lt3A_254 : i1 to i32
      %cond3A_256 = arith.constant 0 : i32
      %cond3A_257 = arith.cmpi ne, %convert_element_type3A_255, %cond3A_256 : i32
      scf.if %cond3A_257 {
        %mul3A_258 = arith.constant 8 : i32
        %mul3A_259 = arith.muli %add3A_250, %mul3A_258 : i32
        %add3A_260 = arith.addi %mul3A_2, %mul3A_259 : i32
        %dma_wait3A_261 = arith.constant 3 : i32
        %dma_wait3A_262 = arith.constant 0 : i32
        %dma_wait3A_263 = arith.constant 0 : i32
        %dma_wait3A_264 = tpu.memref_slice %arg6[%dma_wait3A_261, %dma_wait3A_262, %dma_wait3A_263] : memref<4x8x2048xf32, #tpu.memory_space<vmem>> -> memref<1x8x2048xf32, #tpu.memory_space<vmem>>
        %dma_wait3A_265 = tpu.memref_squeeze %dma_wait3A_264 : memref<1x8x2048xf32, #tpu.memory_space<vmem>> -> memref<8x2048xf32, #tpu.memory_space<vmem>>
        %dma_wait3A_266 = arith.constant 0 : i32
        %dma_wait3A_267 = tpu.memref_slice %arg4[%add3A_260, %dma_wait3A_266] : memref<32768x2048xf32, #tpu.memory_space<hbm>> -> memref<8x2048xf32, #tpu.memory_space<hbm>>
        %dma_wait3A_268 = arith.constant 0 : i32
        %dma_wait3A_269 = tpu.memref_slice %arg4[%add3A_260, %dma_wait3A_268] : memref<32768x2048xf32, #tpu.memory_space<hbm>> -> memref<8x2048xf32, #tpu.memory_space<hbm>>
        %dma_wait3A_270 = arith.constant 0 : i32
        %dma_wait3A_271 = arith.constant 0 : i32
        %dma_wait3A_272 = tpu.memref_slice %arg6[%dma_wait3A_261, %dma_wait3A_270, %dma_wait3A_271] : memref<4x8x2048xf32, #tpu.memory_space<vmem>> -> memref<1x8x2048xf32, #tpu.memory_space<vmem>>
        %dma_wait3A_273 = tpu.memref_squeeze %dma_wait3A_272 : memref<1x8x2048xf32, #tpu.memory_space<vmem>> -> memref<8x2048xf32, #tpu.memory_space<vmem>>
        tpu.wait_dma2 semaphore(%arg8 : memref<!tpu.dma_semaphore, #tpu.memory_space<semaphore_mem>>) src(%dma_wait3A_273 : memref<8x2048xf32, #tpu.memory_space<vmem>>) dst(%dma_wait3A_269 : memref<8x2048xf32, #tpu.memory_space<hbm>>)
        %mul3A_274 = arith.constant 8 : i32
        %mul3A_275 = arith.muli %add3A_252, %mul3A_274 : i32
        %dma_start3A_276 = arith.constant 3 : i32
        %dma_start3A_277 = arith.constant 0 : i32
        %dma_start3A_278 = arith.constant 0 : i32
        %dma_start3A_279 = tpu.memref_slice %arg6[%dma_start3A_276, %dma_start3A_277, %dma_start3A_278] : memref<4x8x2048xf32, #tpu.memory_space<vmem>> -> memref<1x8x2048xf32, #tpu.memory_space<vmem>>
        %dma_start3A_280 = tpu.memref_squeeze %dma_start3A_279 : memref<1x8x2048xf32, #tpu.memory_space<vmem>> -> memref<8x2048xf32, #tpu.memory_space<vmem>>
        %dma_start3A_281 = tpu.memref_slice %arg5[%mul3A_275] : memref<1024xi32, #tpu.memory_space<vmem>> -> memref<8xi32, #tpu.memory_space<vmem>>
        %dma_start3A_282 = arith.constant 0 : i32
        %dma_start3A_283 = arith.constant 0 : i32
        %dma_start3A_284 = tpu.memref_slice %arg3[%dma_start3A_282, %dma_start3A_283] : memref<8192x2048xf32, #tpu.memory_space<hbm>> -> memref<8192x2048xf32, #tpu.memory_space<hbm>>
        tpu.enqueue_indirect_dma source(%dma_start3A_284 : memref<8192x2048xf32, #tpu.memory_space<hbm>>) target(%dma_start3A_280 : memref<8x2048xf32, #tpu.memory_space<vmem>>) offsets(%dma_start3A_281 : memref<8xi32, #tpu.memory_space<vmem>>) semaphore(%arg7 : memref<!tpu.dma_semaphore, #tpu.memory_space<semaphore_mem>>)
      } else {
      }
    }
    %scan3A_46 = arith.constant 32 : i32
    %add3A_47 = arith.constant 0 : i32
    %add3A_48 = arith.addi %mul3A_2, %add3A_47 : i32
    %dma_wait3A = arith.constant 0 : i32
    %dma_wait3A_49 = arith.constant 0 : i32
    %dma_wait3A_50 = arith.constant 0 : i32
    %dma_wait3A_51 = tpu.memref_slice %arg6[%dma_wait3A, %dma_wait3A_49, %dma_wait3A_50] : memref<4x8x2048xf32, #tpu.memory_space<vmem>> -> memref<1x8x2048xf32, #tpu.memory_space<vmem>>
    %dma_wait3A_52 = tpu.memref_squeeze %dma_wait3A_51 : memref<1x8x2048xf32, #tpu.memory_space<vmem>> -> memref<8x2048xf32, #tpu.memory_space<vmem>>
    %dma_wait3A_53 = arith.constant 0 : i32
    %dma_wait3A_54 = tpu.memref_slice %arg4[%add3A_48, %dma_wait3A_53] : memref<32768x2048xf32, #tpu.memory_space<hbm>> -> memref<8x2048xf32, #tpu.memory_space<hbm>>
    %dma_wait3A_55 = arith.constant 0 : i32
    %dma_wait3A_56 = tpu.memref_slice %arg4[%add3A_48, %dma_wait3A_55] : memref<32768x2048xf32, #tpu.memory_space<hbm>> -> memref<8x2048xf32, #tpu.memory_space<hbm>>
    %dma_wait3A_57 = arith.constant 0 : i32
    %dma_wait3A_58 = arith.constant 0 : i32
    %dma_wait3A_59 = tpu.memref_slice %arg6[%dma_wait3A, %dma_wait3A_57, %dma_wait3A_58] : memref<4x8x2048xf32, #tpu.memory_space<vmem>> -> memref<1x8x2048xf32, #tpu.memory_space<vmem>>
    %dma_wait3A_60 = tpu.memref_squeeze %dma_wait3A_59 : memref<1x8x2048xf32, #tpu.memory_space<vmem>> -> memref<8x2048xf32, #tpu.memory_space<vmem>>
    tpu.wait_dma2 semaphore(%arg8 : memref<!tpu.dma_semaphore, #tpu.memory_space<semaphore_mem>>) src(%dma_wait3A_60 : memref<8x2048xf32, #tpu.memory_space<vmem>>) dst(%dma_wait3A_56 : memref<8x2048xf32, #tpu.memory_space<hbm>>)
    %add3A_61 = arith.constant 0 : i32
    %add3A_62 = arith.addi %mul3A_2, %add3A_61 : i32
    %dma_wait3A_63 = arith.constant 1 : i32
    %dma_wait3A_64 = arith.constant 0 : i32
    %dma_wait3A_65 = arith.constant 0 : i32
    %dma_wait3A_66 = tpu.memref_slice %arg6[%dma_wait3A_63, %dma_wait3A_64, %dma_wait3A_65] : memref<4x8x2048xf32, #tpu.memory_space<vmem>> -> memref<1x8x2048xf32, #tpu.memory_space<vmem>>
    %dma_wait3A_67 = tpu.memref_squeeze %dma_wait3A_66 : memref<1x8x2048xf32, #tpu.memory_space<vmem>> -> memref<8x2048xf32, #tpu.memory_space<vmem>>
    %dma_wait3A_68 = arith.constant 0 : i32
    %dma_wait3A_69 = tpu.memref_slice %arg4[%add3A_62, %dma_wait3A_68] : memref<32768x2048xf32, #tpu.memory_space<hbm>> -> memref<8x2048xf32, #tpu.memory_space<hbm>>
    %dma_wait3A_70 = arith.constant 0 : i32
    %dma_wait3A_71 = tpu.memref_slice %arg4[%add3A_62, %dma_wait3A_70] : memref<32768x2048xf32, #tpu.memory_space<hbm>> -> memref<8x2048xf32, #tpu.memory_space<hbm>>
    %dma_wait3A_72 = arith.constant 0 : i32
    %dma_wait3A_73 = arith.constant 0 : i32
    %dma_wait3A_74 = tpu.memref_slice %arg6[%dma_wait3A_63, %dma_wait3A_72, %dma_wait3A_73] : memref<4x8x2048xf32, #tpu.memory_space<vmem>> -> memref<1x8x2048xf32, #tpu.memory_space<vmem>>
    %dma_wait3A_75 = tpu.memref_squeeze %dma_wait3A_74 : memref<1x8x2048xf32, #tpu.memory_space<vmem>> -> memref<8x2048xf32, #tpu.memory_space<vmem>>
    tpu.wait_dma2 semaphore(%arg8 : memref<!tpu.dma_semaphore, #tpu.memory_space<semaphore_mem>>) src(%dma_wait3A_75 : memref<8x2048xf32, #tpu.memory_space<vmem>>) dst(%dma_wait3A_71 : memref<8x2048xf32, #tpu.memory_space<hbm>>)
    %add3A_76 = arith.constant 0 : i32
    %add3A_77 = arith.addi %mul3A_2, %add3A_76 : i32
    %dma_wait3A_78 = arith.constant 2 : i32
    %dma_wait3A_79 = arith.constant 0 : i32
    %dma_wait3A_80 = arith.constant 0 : i32
    %dma_wait3A_81 = tpu.memref_slice %arg6[%dma_wait3A_78, %dma_wait3A_79, %dma_wait3A_80] : memref<4x8x2048xf32, #tpu.memory_space<vmem>> -> memref<1x8x2048xf32, #tpu.memory_space<vmem>>
    %dma_wait3A_82 = tpu.memref_squeeze %dma_wait3A_81 : memref<1x8x2048xf32, #tpu.memory_space<vmem>> -> memref<8x2048xf32, #tpu.memory_space<vmem>>
    %dma_wait3A_83 = arith.constant 0 : i32
    %dma_wait3A_84 = tpu.memref_slice %arg4[%add3A_77, %dma_wait3A_83] : memref<32768x2048xf32, #tpu.memory_space<hbm>> -> memref<8x2048xf32, #tpu.memory_space<hbm>>
    %dma_wait3A_85 = arith.constant 0 : i32
    %dma_wait3A_86 = tpu.memref_slice %arg4[%add3A_77, %dma_wait3A_85] : memref<32768x2048xf32, #tpu.memory_space<hbm>> -> memref<8x2048xf32, #tpu.memory_space<hbm>>
    %dma_wait3A_87 = arith.constant 0 : i32
    %dma_wait3A_88 = arith.constant 0 : i32
    %dma_wait3A_89 = tpu.memref_slice %arg6[%dma_wait3A_78, %dma_wait3A_87, %dma_wait3A_88] : memref<4x8x2048xf32, #tpu.memory_space<vmem>> -> memref<1x8x2048xf32, #tpu.memory_space<vmem>>
    %dma_wait3A_90 = tpu.memref_squeeze %dma_wait3A_89 : memref<1x8x2048xf32, #tpu.memory_space<vmem>> -> memref<8x2048xf32, #tpu.memory_space<vmem>>
    tpu.wait_dma2 semaphore(%arg8 : memref<!tpu.dma_semaphore, #tpu.memory_space<semaphore_mem>>) src(%dma_wait3A_90 : memref<8x2048xf32, #tpu.memory_space<vmem>>) dst(%dma_wait3A_86 : memref<8x2048xf32, #tpu.memory_space<hbm>>)
    %add3A_91 = arith.constant 0 : i32
    %add3A_92 = arith.addi %mul3A_2, %add3A_91 : i32
    %dma_wait3A_93 = arith.constant 3 : i32
    %dma_wait3A_94 = arith.constant 0 : i32
    %dma_wait3A_95 = arith.constant 0 : i32
    %dma_wait3A_96 = tpu.memref_slice %arg6[%dma_wait3A_93, %dma_wait3A_94, %dma_wait3A_95] : memref<4x8x2048xf32, #tpu.memory_space<vmem>> -> memref<1x8x2048xf32, #tpu.memory_space<vmem>>
    %dma_wait3A_97 = tpu.memref_squeeze %dma_wait3A_96 : memref<1x8x2048xf32, #tpu.memory_space<vmem>> -> memref<8x2048xf32, #tpu.memory_space<vmem>>
    %dma_wait3A_98 = arith.constant 0 : i32
    %dma_wait3A_99 = tpu.memref_slice %arg4[%add3A_92, %dma_wait3A_98] : memref<32768x2048xf32, #tpu.memory_space<hbm>> -> memref<8x2048xf32, #tpu.memory_space<hbm>>
    %dma_wait3A_100 = arith.constant 0 : i32
    %dma_wait3A_101 = tpu.memref_slice %arg4[%add3A_92, %dma_wait3A_100] : memref<32768x2048xf32, #tpu.memory_space<hbm>> -> memref<8x2048xf32, #tpu.memory_space<hbm>>
    %dma_wait3A_102 = arith.constant 0 : i32
    %dma_wait3A_103 = arith.constant 0 : i32
    %dma_wait3A_104 = tpu.memref_slice %arg6[%dma_wait3A_93, %dma_wait3A_102, %dma_wait3A_103] : memref<4x8x2048xf32, #tpu.memory_space<vmem>> -> memref<1x8x2048xf32, #tpu.memory_space<vmem>>
    %dma_wait3A_105 = tpu.memref_squeeze %dma_wait3A_104 : memref<1x8x2048xf32, #tpu.memory_space<vmem>> -> memref<8x2048xf32, #tpu.memory_space<vmem>>
    tpu.wait_dma2 semaphore(%arg8 : memref<!tpu.dma_semaphore, #tpu.memory_space<semaphore_mem>>) src(%dma_wait3A_105 : memref<8x2048xf32, #tpu.memory_space<vmem>>) dst(%dma_wait3A_101 : memref<8x2048xf32, #tpu.memory_space<hbm>>)
    return
  }
}

</mosaic_0001>

<sc_bundles>
// kernel: kernel.3.cloned.1.call-start
scs
__scs_entry_jumppad:
0x0: {  	(pc) =	sbr.rel $0x88, $3  }
0x1: {  	(tag) =	ssettag $0x0;
	lr =	simm.s32 $0x1  }
0x2: {  	[smem:$0x3F9F] =	sst lr;
	_ =	strace $0xD0000000  }
0x3: {  	_ = 	snop  }
0x4: {  	_ = 	snop  }
0x5: {  	_ = 	snop  }
0x6: {  	_ = 	snop  }
0x7: {  	_ = 	snop  }
__scs_overlays_trampoline_lowered:
0x8: {  	[smem:$0x3FAE] =	sst s0  }
0x9: {  	[smem:$0x3FAF] =	sst s1  }
0xa: {  	[smem:$0x3FB0] =	sst s2  }
0xb: {  	[smem:$0x3FB1] =	sst s3  }
0xc: {  	[smem:$0x3FB2] =	sst s4  }
0xd: {  	[smem:$0x3FB3] =	sst s5  }
0xe: {  	[smem:$0x3FB4] =	sst s6  }
0xf: {  	[smem:$0x3FB5] =	sst s7  }
0x10: {  	[smem:$0x3FB6] =	sst s8  }
0x11: {  	[smem:$0x3FB7] =	sst s9;
	s0 =	simm.s32 @!p0 $0x0  }
0x12: {  	s1 =	sld [smem:$0x3F9D];
	s0 =	simm.s32 @p0 $0x1  }
0x13: {  	[smem:$0x3FB8] =	sst s0;
	s0 =	simm.s32 @!p1 $0x0  }
0x14: {  	s2 =	sld [smem:$0x3F9C];
	s0 =	simm.s32 @p1 $0x1  }
0x15: {  	[smem:$0x3FB9] =	sst s0;
	s0 =	simm.s32 @!p2 $0x0  }
0x16: {  	s3 =	sld [smem:$0x3FDB];
	s0 =	simm.s32 @p2 $0x1  }
0x17: {  	s4 =	simm.s32 $0x1BF5;
	[smem:$0x3FBB] =	sst s0  }
0x18: {  	s0 =	sld [smem:$0x3F9E];
	_ =	swait.ge [sflag:s4], $0x0  }
0x19: {  	s7 =	sld [smem:$0x3F9F]  }
0x1a: {  	s8 =	sadd.s32 $0xFFFFE003, lr  }
0x1b: {  	s9 =	sadd.s32 $0xFFFFFEF7, lr;
	s5 =	simm.s32 $0xFFFFFFFF;
	p2 =	slt.u32 s8, $0xFFFFF086  }
0x1c: {  	p1 =	slt.u32 s9, $0xF7A;
	s5 =	simm.s32 @!p2 $0x0  }
0x1d: {  	s5 =	simm.s32 @p1 $0x1;
	p0 =	seq.s32 s7, s2  }
0x1e: {  	s7 =	smul.u32 @!p0 $0xF7A, s2;
	p2 =	seq.s32 @!p0 s5, $0x0  }
0x1f: {  	s9 =	smul.u32 $0xF7A, s1;
	s8 =	simm.s32 @!p0 $0x1BF5;
	p2 =	por !p2, p0  }
0x20: {  	[sflag:s8] =	ssyncset.s32 @!p0 $0xFFFFF086;
	s6 =	sadd.s32 @!p0 s3, s7;
	s7 =	simm.s32 @!p0 $0x108  }
0x21: {  	s3 =	sadd.s32 s3, s9;
	s6 =	sadd.s32 @!p0 $0x88, s6;
	s7 =	simm.s32 @p2 $0x1082  }
0x22: {  	[simem:s7], [sflag:s8] =	dma.local @!p0 [hbm:s6], $0xF7A  }
0x23: {  	s9 =	sor.u32 $0xD0000000, s2;
	s6 =	simm.s32 $0x108;
	_ =	swait.ge @!p0 [sflag:s8], $0x0  }
0x24: {  	s3 =	sadd.s32 $0x88, s3;
	s6 =	simm.s32 @!p1 $0x1082;
	[sflag:s4] =	ssyncset.s32 $0xFFFFF086  }
0x25: {  	[simem:s6], [sflag:s4] =	dma.local [hbm:s3], $0xF7A  }
0x26: {  	[smem:$0x3F9F] =	sst s1;
	(tag) =	ssettag s2;
	_ =	strace s9  }
0x27: {  	s1 =	sld [smem:$0x3FAF]  }
0x28: {  	s2 =	sld [smem:$0x3FB0]  }
0x29: {  	s4 =	sld [smem:$0x3FB2]  }
0x2a: {  	p0 =	seq.s32 s5, $0x0;
	s5 =	sld [smem:$0x3FB3]  }
0x2b: {  	s6 =	sld [smem:$0x3FB4]  }
0x2c: {  	s7 =	sld [smem:$0x3FB5]  }
0x2d: {  	s3 =	simm.s32 $0x108;
	s8 =	sld [smem:$0x3FB6]  }
0x2e: {  	s3 =	simm.s32 @!p0 $0x1082;
	s9 =	sld [smem:$0x3FB7]  }
0x2f: {  	lr =	sadd.s32 s0, s3;
	s0 =	sld [smem:$0x3FAE]  }
0x30: {  	s3 =	sld [smem:$0x3FB1]  }
0x31: {  	[smem:$0x3FBA] =	sst s10  }
0x32: {  	s10 =	sld [smem:$0x3FB8];
	_ =	sdelay $0x3  }
0x33: {  	p0 =	seq.s32 s10, $0x1;
	s10 =	sld [smem:$0x3FBA];
	_ =	sdelay $0x3  }
0x34: {  	[smem:$0x3FBA] =	sst s10  }
0x35: {  	s10 =	sld [smem:$0x3FB9];
	_ =	sdelay $0x3  }
0x36: {  	p1 =	seq.s32 s10, $0x1;
	s10 =	sld [smem:$0x3FBA];
	_ =	sdelay $0x3  }
0x37: {  	[smem:$0x3FBA] =	sst s10  }
0x38: {  	s10 =	sld [smem:$0x3FBB]  }
0x39: {  	_ = 	snop;
	(pc) =	sbr.ind lr, $3  }
0x3a: {  	_ = 	snop  }
0x3b: {  	_ = 	snop  }
0x3c: {  	p2 =	seq.s32 s10, $0x1;
	s10 =	sld [smem:$0x3FBA]  }
0x3d: {  	_ =	shalt  }
0x3e: {  	_ =	shalt  }
0x3f: {  	_ =	shalt  }
0x40: {  	_ =	shalt  }
0x41: {  	_ =	shalt  }
0x42: {  	_ =	shalt  }
0x43: {  	_ =	shalt  }
0x44: {  	_ =	shalt  }
0x45: {  	_ =	shalt  }
0x46: {  	_ =	shalt  }
0x47: {  	_ =	shalt  }
0x48: {  	_ =	shalt  }
0x49: {  	_ =	shalt  }
0x4a: {  	_ =	shalt  }
0x4b: {  	_ =	shalt  }
0x4c: {  	_ =	shalt  }
0x4d: {  	_ =	shalt  }
0x4e: {  	_ =	shalt  }
0x4f: {  	_ =	shalt  }
0x50: {  	_ =	shalt  }
0x51: {  	_ =	shalt  }
0x52: {  	_ =	shalt  }
0x53: {  	_ =	shalt  }
0x54: {  	_ =	shalt  }
0x55: {  	_ =	shalt  }
0x56: {  	_ =	shalt  }
0x57: {  	_ =	shalt  }
0x58: {  	_ =	shalt  }
0x59: {  	_ =	shalt  }
0x5a: {  	_ =	shalt  }
0x5b: {  	_ =	shalt  }
0x5c: {  	_ =	shalt  }
0x5d: {  	_ =	shalt  }
0x5e: {  	_ =	shalt  }
0x5f: {  	_ =	shalt  }
0x60: {  	_ =	shalt  }
0x61: {  	_ =	shalt  }
0x62: {  	_ =	shalt  }
0x63: {  	_ =	shalt  }
0x64: {  	_ =	shalt  }
0x65: {  	_ =	shalt  }
0x66: {  	_ =	shalt  }
0x67: {  	_ =	shalt  }
0x68: {  	_ =	shalt  }
0x69: {  	_ =	shalt  }
0x6a: {  	_ =	shalt  }
0x6b: {  	_ =	shalt  }
0x6c: {  	_ =	shalt  }
0x6d: {  	_ =	shalt  }
0x6e: {  	_ =	shalt  }
0x6f: {  	_ =	shalt  }
0x70: {  	_ =	shalt  }
0x71: {  	_ =	shalt  }
0x72: {  	_ =	shalt  }
0x73: {  	_ =	shalt  }
0x74: {  	_ =	shalt  }
0x75: {  	_ =	shalt  }
0x76: {  	_ =	shalt  }
0x77: {  	_ =	shalt  }
0x78: {  	_ =	shalt  }
0x79: {  	_ =	shalt  }
0x7a: {  	_ =	shalt  }
0x7b: {  	_ =	shalt  }
0x7c: {  	_ =	shalt  }
0x7d: {  	_ =	shalt  }
0x7e: {  	_ =	shalt  }
0x7f: {  	_ =	shalt  }
0x80: {  	_ =	shalt  }
0x81: {  	_ =	shalt  }
0x82: {  	_ =	shalt  }
0x83: {  	_ =	shalt  }
0x84: {  	_ =	shalt  }
0x85: {  	_ =	shalt  }
0x86: {  	_ =	shalt  }
0x87: {  	_ =	shalt  }
.Lfunc_end0:
.L_simem_size_0:
called_computation_lowered:
.L_overlay_start_0:
0x88: {  	s2 =	sld [smem:$0x3FD9]  }
0x89: {  	s3 =	sld [smem:$0x3FFE];
	_ =	sdelay $0x1  }
0x8a: {  	s1 =	srdreg.scid  }
0x8b: {  	s0 =	sand.u32 $0x1, s1  }
0x8c: {  	s17 =	sshll.u32 s0, $0xA;
	s2 =	sadd.s32 s3, s2  }
0x8d: {  	s2 =	sadd.s32 s2, s17  }
0x8e: {  	[smem:$0x3FC6] =	sst s2  }
0x8f: {  	_ = 	snop  }
0x90: {  	s2 =	sld [smem:$0x3FC8]  }
0x91: {  	s18 =	sld [smem:$0x3FD0];
	(tm) =	ssettm $0x1  }
0x92: {  	s4 =	sld [smem:$0x3FFB];
	_ =	sdelay $0x3  }
0x93: {  	_ =	strace s4  }
0x94: {  	s4 =	sld [smem:$0x3FFC];
	_ =	sdelay $0x3  }
0x95: {  	_ =	strace s4  }
0x96: {  	s4 =	sld [smem:$0x3FFD];
	_ =	sdelay $0x3  }
0x97: {  	_ =	strace s4  }
0x98: {  	_ =	strace $0x8FFFFFFF  }
0x99: {  	s19 =	sld [smem:$0x3FDB];
	_ =	sdelay $0x1  }
0x9a: {  	s5 =	simm.s32 $_scs_section_size  }
0x9b: {  	s6 =	simm.s32 $_size__tile_overlayer_lowered;
	s7 =	simm.s32 $_tile_overlayer_lowered  }
0x9c: {  	s22 =	simm.s32 $0x1BFF;
	s21 =	sshll.u32 s7, $0x1;
	s4 =	sadd.s32 s5, s19  }
0x9d: {  	s8 =	simm.s32 $0x0;
	s20 =	sshll.u32 s6, $0x1;
	s6 =	sadd.s32 s21, s4  }
0x9e: {  	[timem:s8], [sflag:s22] =	dma.local [hbm:s6], s20  }
0x9f: {  	_ =	swait.ge [sflag:s22], s20  }
0xa0: {  	s5 =	ssub.s32 $0x0, s20;
	[sflag:s22] =	ssyncset.done $0x0  }
0xa1: {  	[sflag:s22] =	ssyncadd.s32 s5;
	_ =	sdelay $0x1  }
0xa2: {  	s23 =	simm.s32 $0x1B8B  }
0xa3: {  	_ =	swait.ge [sflag:s23], $0x1  }
0xa4: {  	[sflag:s23] =	ssyncset.done $0x0  }
0xa5: {  	s25 =	simm.s32 $0x1B8E;
	s24 =	sld [smem:$0x3FFE];
	[sflag:s23] =	ssyncadd.s32 $0xFFFFFFFF  }
0xa6: {  	s26 =	simm.s32 $execute0_lowered;
	[smem:$0x3FD2] =	sst s25  }
0xa7: {  	s6 =	sshll.u32 s26, $0x1;
	_ =	strace $0x80000046;
	[dreg:$0x1] =	wrdreg $0xFFFFFFFF  }
0xa8: {  	s28 =	simm.s32 $_size_execute0_lowered;
	s4 =	sadd.s32 s4, s6;
	[dreg:$0x0] =	wrdreg $0x0  }
0xa9: {  	s6 =	sshll.u32 s28, $0x1;
	[dreg:$0x2] =	wrdreg s4  }
0xaa: {  	[dreg:$0x3] =	wrdreg s6  }
0xab: {  	[dreg:$0x4] =	wrdreg $0xC0  }
0xac: {  	_ =	task [dreg:s8], $0x5FFFF  }
0xad: {  	[dreg:$0x1] =	wrdreg $0xFFFFFFFF  }
0xae: {  	[dreg:$0x0] =	wrdreg $0x60  }
0xaf: {  	[dreg:$0x2] =	wrdreg s24  }
0xb0: {  	[dreg:$0x3] =	wrdreg s2  }
0xb1: {  	[dreg:$0x4] =	wrdreg s18  }
0xb2: {  	[dreg:$0x5] =	wrdreg $0x9  }
0xb3: {  	_ =	task.clear_ibuf [dreg:s8], $0x6FFFF;
	_ =	strace $0x90000046  }
0xb4: {  	s29 =	simm.s32 $0x9;
	_ =	strace $0x80000048  }
0xb5: {  	_ =	swait.ge [sflag:s29], $0x1  }
0xb6: {  	[sflag:s29] =	ssyncadd.s32 $0xFFFFFFFF  }
0xb7: {  	_ =	strace $0x90000048  }
0xb8: {  	_ =	sfence  }
0xb9: {  	s30 =	sld [smem:$0x0];
	_ =	sdelay $0x2  }
0xba: {  	s31 =	sshll.u32 s1, $0xD;
	s1 =	sshrl.u32 s1, $0x2  }
0xbb: {  	s3 =	sand.u32 $0x4000, s31;
	s1 =	sadd.s32 s1, s30  }
0xbc: {  	s0 =	sor.u32 s3, s0;
	s1 =	sshll.u32 s1, $0x11  }
0xbd: {  	s0 =	sor.u32 s1, s0  }
0xbe: {  	s0 =	sadd.s32 $0x8F2B, s0  }
0xbf: {  	[sflag:s0] =	ssyncadd.remote.s32 $0x1  }
0xc0: {  	_ =	sfence.sel $0xFFFF  }
0xc1: {  	[dreg:$0x0] =	wrdreg $0xFFFFFFFF;
	(pc) =	sbr.abs _section_cstart, $3  }
0xc2: {  	[dreg:$0x1] =	wrdreg $0xFFFFFFFF  }
0xc3: {  	_ =	task.clear_ibuf [dreg:s8], $0x2FFFF;
	_ =	strace $0x9FFFFFFF  }
0xc4: {  	(tm) =	ssettm $0x7FFFFFFF  }
0xc5: {  	_ =	shalt  }
tec
execute0_lowered:
.L_overlay_start_1:
0x0: {  	(tag) =	ssettag $0x1  }
0x1: {  	s0 =	rddreg [dreg:$0x0]  }
0x2: {  	s1 =	srdreg.scid;
	s2 =	rddreg [dreg:$0x1]  }
0x3: {  	s10 =	stileid.u32;
	s4 =	rddreg [dreg:$0x2];
	s15 =	simm.s32 $0x400  }
0x4: {  	s23 =	simm.s32 $0x4400;
	s14 =	simm.s32 $0xA400;
	s16 =	simm.s32 $0xAC00  }
0x5: {  	s17 =	simm.s32 $0xB400;
	s18 =	simm.s32 $0xBC00;
	s19 =	simm.s32 $0xC400  }
0x6: {  	s20 =	simm.s32 $0xCC00;
	s21 =	simm.s32 $0xD400;
	s22 =	simm.s32 $0xDC00  }
0x7: {  	s24 =	simm.s32 $0xE400;
	s28 =	simm.s32 $0xFC00;
	s29 =	simm.s32 $0x1  }
0x8: {  	s30 =	simm.s32 $0x2;
	s1 =	sand.u32 $0x1, s1;
	s3 =	sshll.u32 s10, $0xB  }
0x9: {  	s7 =	sadd.s32 $0x300, s2;
	s8 =	sadd.s32 $0x400, s2;
	s9 =	sadd.s32 $0x500, s2  }
0xa: {  	s26 =	sshll.u32 s10, $0x13;
	s10 =	sadd.s32 $0x600, s2;
	s11 =	sadd.s32 $0x700, s2  }
0xb: {  	s5 =	sshll.u32 s1, $0xA;
	s6 =	ssub.s32 $0x2, s1;
	s1 =	sshll.u32 s1, $0x12  }
0xc: {  	s5 =	sor.u32 s5, s3;
	s3 =	simm.s32 $0x0;
	s25 =	sshrl.u32 s6, $0x1  }
0xd: {  	s5 =	sshrl.u32 s5, $0x3;
	[smem:$0x7FF] =	sst s3;
	s12 =	ssub.s32 s6, s25  }
.Ltmp0:
0xe: {  	s6 =	sadd.s32 $0x200, s2;
	s25 =	simm.s32 $0xEC00;
	(pc) =	sbr.rel .LBB2_1-.Ltmp0, $4  }
0xf: {  	s0 =	sadd.s32 s5, s0;
	_ =	strace $0x80000047;
	s31 =	smax.u32 s12, $0x1  }
0x10: {  	v0 =	vlaneseq.u32;
	s5 =	sadd.s32 $0x100, s2;
	s0 =	sadd.s32 $0x400, s0;
	[dreg:$0x5] =	wrdreg s31  }
0x11: {  	v1 =	vshrl.u32 v0, $0x3;
	[dreg:$0x4] =	wrdreg s0;
	s0 =	sadd.s32 s26, s4;
	s26 =	simm.s32 $0xF400  }
0x12: {  	vm0 =	vmmov $0xffff;
	v0 =	vand.u32 $0x7, v0;
	v1 =	vmul.u32 $0x8, v1;
	s4 =	simm.s32 $0x0;
	s13 =	sadd.s32 s1, s0;
	s1 =	simm.s32 $0x8400  }
.LBB2_4:
0x13: {  	_ =	swait.ge [sflag:s30], $0x4000  }
0x14: {  	[sflag:s30] =	ssyncset.done $0x0  }
0x15: {  	[sflag:s30] =	ssyncadd.s32 $0xFFFFC000  }
0x16: {  	_ =	swait.ge [sflag:s30], $0x4000  }
0x17: {  	[sflag:s30] =	ssyncset.done $0x0  }
0x18: {  	[sflag:s30] =	ssyncadd.s32 $0xFFFFC000  }
0x19: {  	_ =	swait.ge [sflag:s30], $0x4000  }
0x1a: {  	[sflag:s30] =	ssyncset.done $0x0  }
0x1b: {  	[sflag:s30] =	ssyncadd.s32 $0xFFFFC000  }
0x1c: {  	_ =	swait.ge [sflag:s30], $0x4000  }
0x1d: {  	s4 =	rddreg [dreg:$0x6]  }
0x1e: {  	s0 =	rddreg [dreg:$0x5];
	s4 =	sadd.s32 $0x1, s4  }
0x1f: {  	p0 =	sne.s32 s4, s0  }
.Ltmp1:
0x20: {  	_ = 	snop;
	(pc) =	sbr.rel @!p0 .LBB2_5-.Ltmp1, $3  }
0x21: {  	_ =	sdelay $0x1  }
0x22: {  	[sflag:s30] =	ssyncset.done $0x0  }
0x23: {  	[sflag:s30] =	ssyncadd.s32 $0xFFFFC000  }
.LBB2_1:
0x24: {  	[dreg:$0x6] =	wrdreg s4  }
0x25: {  	s0 =	rddreg [dreg:$0x4];
	s4 =	simm.s32 $0x3  }
0x26: {  	[tilespmem:s3], [sflag:$0x3] =	stream.linear.gather [hbm4b:s0+s3], $0x400, $0x38;
	[tilespmem:$0x10400] =	vst v63  }
0x27: {  	_ =	swait.ge [sflag:s4], $0x400  }
0x28: {  	[sflag:s4] =	ssyncset.done $0x0  }
0x29: {  	[sflag:s4] =	ssyncadd.s32 $0xFFFFFC00  }
0x2a: {  	v2 =	vld.msk [tilespmem:$0x0], $0xff;
	_ =	sdelay $0x4  }
0x2b: {  	v3 =	vshll.u32 v2, $0x4  }
0x2c: {  	v2 =	vand.u32 $0x7, v2;
	v3 =	vand.u32 $0xFFFFFF80, v3  }
0x2d: {  	v2 =	vor.u32 v2, v3  }
0x2e: {  	v2 =	vperm.xlane v2, v0;
	_ =	sdelay $0x1  }
0x2f: {  	v2 =	vadd.s32 v1, v2;
	_ =	sdelay $0x4  }
0x30: {  	[tilespmem:s15], [sflag:$0x1] =	stream.indirect_vreg.gather [hbm4b:s2+s3], $0x80, v2, vm0, $0xb8;
	[tilespmem:$0x10400] =	vst v63  }
0x31: {  	s12 =	simm.s32 $0xC00  }
0x32: {  	[tilespmem:s12], [sflag:$0x1] =	stream.indirect_vreg.gather [hbm4b:s5+s3], $0x80, v2, vm0, $0xb8;
	[tilespmem:$0x10400] =	vst v63  }
0x33: {  	s4 =	simm.s32 $0x1400  }
0x34: {  	[tilespmem:s4], [sflag:$0x1] =	stream.indirect_vreg.gather [hbm4b:s6+s3], $0x80, v2, vm0, $0xb8;
	[tilespmem:$0x10400] =	vst v63  }
0x35: {  	s12 =	simm.s32 $0x1C00  }
0x36: {  	[tilespmem:s12], [sflag:$0x1] =	stream.indirect_vreg.gather [hbm4b:s7+s3], $0x80, v2, vm0, $0xb8;
	[tilespmem:$0x10400] =	vst v63  }
0x37: {  	s4 =	simm.s32 $0x2400  }
0x38: {  	[tilespmem:s4], [sflag:$0x1] =	stream.indirect_vreg.gather [hbm4b:s8+s3], $0x80, v2, vm0, $0xb8;
	[tilespmem:$0x10400] =	vst v63  }
0x39: {  	s12 =	simm.s32 $0x2C00  }
0x3a: {  	[tilespmem:s12], [sflag:$0x1] =	stream.indirect_vreg.gather [hbm4b:s9+s3], $0x80, v2, vm0, $0xb8;
	[tilespmem:$0x10400] =	vst v63  }
0x3b: {  	s4 =	simm.s32 $0x3400  }
0x3c: {  	[tilespmem:s4], [sflag:$0x1] =	stream.indirect_vreg.gather [hbm4b:s10+s3], $0x80, v2, vm0, $0xb8;
	[tilespmem:$0x10400] =	vst v63  }
0x3d: {  	s12 =	simm.s32 $0x3C00  }
0x3e: {  	[tilespmem:s12], [sflag:$0x1] =	stream.indirect_vreg.gather [hbm4b:s11+s3], $0x80, v2, vm0, $0xb8;
	[tilespmem:$0x10400] =	vst v63  }
0x3f: {  	v2 =	vld.msk [tilespmem:$0x8], $0xff;
	_ =	sdelay $0x4  }
0x40: {  	v3 =	vshll.u32 v2, $0x4  }
0x41: {  	v2 =	vand.u32 $0x7, v2;
	v3 =	vand.u32 $0xFFFFFF80, v3  }
0x42: {  	v2 =	vor.u32 v2, v3  }
0x43: {  	v2 =	vperm.xlane v2, v0;
	_ =	sdelay $0x1  }
0x44: {  	v2 =	vadd.s32 v1, v2;
	_ =	sdelay $0x4  }
0x45: {  	[tilespmem:s23], [sflag:$0x1] =	stream.indirect_vreg.gather [hbm4b:s2+s3], $0x80, v2, vm0, $0xb8;
	[tilespmem:$0x10400] =	vst v63  }
0x46: {  	s4 =	simm.s32 $0x4C00  }
0x47: {  	[tilespmem:s4], [sflag:$0x1] =	stream.indirect_vreg.gather [hbm4b:s5+s3], $0x80, v2, vm0, $0xb8;
	[tilespmem:$0x10400] =	vst v63  }
0x48: {  	s12 =	simm.s32 $0x5400  }
0x49: {  	[tilespmem:s12], [sflag:$0x1] =	stream.indirect_vreg.gather [hbm4b:s6+s3], $0x80, v2, vm0, $0xb8;
	[tilespmem:$0x10400] =	vst v63  }
0x4a: {  	s4 =	simm.s32 $0x5C00  }
0x4b: {  	[tilespmem:s4], [sflag:$0x1] =	stream.indirect_vreg.gather [hbm4b:s7+s3], $0x80, v2, vm0, $0xb8;
	[tilespmem:$0x10400] =	vst v63  }
0x4c: {  	s12 =	simm.s32 $0x6400  }
0x4d: {  	[tilespmem:s12], [sflag:$0x1] =	stream.indirect_vreg.gather [hbm4b:s8+s3], $0x80, v2, vm0, $0xb8;
	[tilespmem:$0x10400] =	vst v63  }
0x4e: {  	s4 =	simm.s32 $0x6C00  }
0x4f: {  	[tilespmem:s4], [sflag:$0x1] =	stream.indirect_vreg.gather [hbm4b:s9+s3], $0x80, v2, vm0, $0xb8;
	[tilespmem:$0x10400] =	vst v63  }
0x50: {  	s12 =	simm.s32 $0x7400  }
0x51: {  	[tilespmem:s12], [sflag:$0x1] =	stream.indirect_vreg.gather [hbm4b:s10+s3], $0x80, v2, vm0, $0xb8;
	[tilespmem:$0x10400] =	vst v63  }
0x52: {  	s4 =	simm.s32 $0x7C00  }
0x53: {  	[tilespmem:s4], [sflag:$0x1] =	stream.indirect_vreg.gather [hbm4b:s11+s3], $0x80, v2, vm0, $0xb8;
	[tilespmem:$0x10400] =	vst v63  }
0x54: {  	v2 =	vld.msk [tilespmem:$0x10], $0xff;
	_ =	sdelay $0x4  }
0x55: {  	v3 =	vshll.u32 v2, $0x4  }
0x56: {  	v2 =	vand.u32 $0x7, v2;
	v3 =	vand.u32 $0xFFFFFF80, v3  }
0x57: {  	v2 =	vor.u32 v2, v3  }
0x58: {  	v2 =	vperm.xlane v2, v0;
	_ =	sdelay $0x1  }
0x59: {  	v2 =	vadd.s32 v1, v2;
	_ =	sdelay $0x4  }
0x5a: {  	[tilespmem:s1], [sflag:$0x1] =	stream.indirect_vreg.gather [hbm4b:s2+s3], $0x80, v2, vm0, $0xb8;
	[tilespmem:$0x10400] =	vst v63  }
0x5b: {  	s12 =	simm.s32 $0x8C00  }
0x5c: {  	[tilespmem:s12], [sflag:$0x1] =	stream.indirect_vreg.gather [hbm4b:s5+s3], $0x80, v2, vm0, $0xb8;
	[tilespmem:$0x10400] =	vst v63  }
0x5d: {  	s4 =	simm.s32 $0x9400  }
0x5e: {  	[tilespmem:s4], [sflag:$0x1] =	stream.indirect_vreg.gather [hbm4b:s6+s3], $0x80, v2, vm0, $0xb8;
	[tilespmem:$0x10400] =	vst v63  }
0x5f: {  	s12 =	simm.s32 $0x9C00  }
0x60: {  	[tilespmem:s12], [sflag:$0x1] =	stream.indirect_vreg.gather [hbm4b:s7+s3], $0x80, v2, vm0, $0xb8;
	[tilespmem:$0x10400] =	vst v63  }
0x61: {  	_ = 	snop  }
0x62: {  	[tilespmem:s14], [sflag:$0x1] =	stream.indirect_vreg.gather [hbm4b:s8+s3], $0x80, v2, vm0, $0xb8;
	[tilespmem:$0x10400] =	vst v63  }
0x63: {  	_ = 	snop  }
0x64: {  	[tilespmem:s16], [sflag:$0x1] =	stream.indirect_vreg.gather [hbm4b:s9+s3], $0x80, v2, vm0, $0xb8;
	[tilespmem:$0x10400] =	vst v63  }
0x65: {  	_ = 	snop  }
0x66: {  	[tilespmem:s17], [sflag:$0x1] =	stream.indirect_vreg.gather [hbm4b:s10+s3], $0x80, v2, vm0, $0xb8;
	[tilespmem:$0x10400] =	vst v63  }
0x67: {  	_ = 	snop  }
0x68: {  	[tilespmem:s18], [sflag:$0x1] =	stream.indirect_vreg.gather [hbm4b:s11+s3], $0x80, v2, vm0, $0xb8;
	[tilespmem:$0x10400] =	vst v63  }
0x69: {  	v2 =	vld.msk [tilespmem:$0x18], $0xff;
	_ =	sdelay $0x4  }
0x6a: {  	v3 =	vshll.u32 v2, $0x4  }
0x6b: {  	v2 =	vand.u32 $0x7, v2;
	v3 =	vand.u32 $0xFFFFFF80, v3  }
0x6c: {  	v2 =	vor.u32 v2, v3  }
0x6d: {  	v2 =	vperm.xlane v2, v0;
	_ =	sdelay $0x1  }
0x6e: {  	v2 =	vadd.s32 v1, v2;
	_ =	sdelay $0x4  }
0x6f: {  	[tilespmem:s19], [sflag:$0x1] =	stream.indirect_vreg.gather [hbm4b:s2+s3], $0x80, v2, vm0, $0xb8;
	[tilespmem:$0x10400] =	vst v63  }
0x70: {  	_ = 	snop  }
0x71: {  	[tilespmem:s20], [sflag:$0x1] =	stream.indirect_vreg.gather [hbm4b:s5+s3], $0x80, v2, vm0, $0xb8;
	[tilespmem:$0x10400] =	vst v63  }
0x72: {  	_ = 	snop  }
0x73: {  	[tilespmem:s21], [sflag:$0x1] =	stream.indirect_vreg.gather [hbm4b:s6+s3], $0x80, v2, vm0, $0xb8;
	[tilespmem:$0x10400] =	vst v63  }
0x74: {  	_ = 	snop  }
0x75: {  	[tilespmem:s22], [sflag:$0x1] =	stream.indirect_vreg.gather [hbm4b:s7+s3], $0x80, v2, vm0, $0xb8;
	[tilespmem:$0x10400] =	vst v63  }
0x76: {  	_ = 	snop  }
0x77: {  	[tilespmem:s24], [sflag:$0x1] =	stream.indirect_vreg.gather [hbm4b:s8+s3], $0x80, v2, vm0, $0xb8;
	[tilespmem:$0x10400] =	vst v63  }
0x78: {  	_ = 	snop  }
0x79: {  	[tilespmem:s25], [sflag:$0x1] =	stream.indirect_vreg.gather [hbm4b:s9+s3], $0x80, v2, vm0, $0xb8;
	[tilespmem:$0x10400] =	vst v63  }
0x7a: {  	_ = 	snop  }
0x7b: {  	[tilespmem:s26], [sflag:$0x1] =	stream.indirect_vreg.gather [hbm4b:s10+s3], $0x80, v2, vm0, $0xb8;
	[tilespmem:$0x10400] =	vst v63  }
0x7c: {  	s31 =	simm.s32 $0x38;
	s0 =	simm.s32 $0x0  }
0x7d: {  	[tilespmem:s28], [sflag:$0x1] =	stream.indirect_vreg.gather [hbm4b:s11+s3], $0x80, v2, vm0, $0xb8;
	[tilespmem:$0x10400] =	vst v63  }
.LBB2_2:
0x7e: {  	_ =	swait.ge [sflag:s29], $0x4000  }
0x7f: {  	[sflag:s29] =	ssyncset.done $0x0  }
0x80: {  	s4 =	sadd.s32 s0, s13;
	[sflag:s29] =	ssyncadd.s32 $0xFFFFC000  }
0x81: {  	[hbm4b:s4+s3] =	stream.linear.scatter [tilespmem:s15], [sflag:$0x2], $0x4000, $0x38;
	[tilespmem:$0x10400] =	vst v63  }
0x82: {  	_ =	swait.ge [sflag:s29], $0x4000  }
0x83: {  	[sflag:s29] =	ssyncset.done $0x0  }
0x84: {  	s12 =	sadd.s32 $0x800, s4;
	[sflag:s29] =	ssyncadd.s32 $0xFFFFC000  }
0x85: {  	[hbm4b:s12+s3] =	stream.linear.scatter [tilespmem:s23], [sflag:$0x2], $0x4000, $0x38;
	[tilespmem:$0x10400] =	vst v63  }
0x86: {  	_ =	swait.ge [sflag:s29], $0x4000  }
0x87: {  	[sflag:s29] =	ssyncset.done $0x0  }
0x88: {  	p0 =	seq.s32 s0, $0x3E000;
	s12 =	sadd.s32 $0x1000, s4;
	[sflag:s29] =	ssyncadd.s32 $0xFFFFC000  }
0x89: {  	[hbm4b:s12+s3] =	stream.linear.scatter [tilespmem:s1], [sflag:$0x2], $0x4000, $0x38;
	[tilespmem:$0x10400] =	vst v63  }
.Ltmp2:
0x8a: {  	_ = 	snop;
	(pc) =	sbr.rel @p0 .LBB2_4-.Ltmp2, $4  }
0x8b: {  	_ =	swait.ge [sflag:s29], $0x4000  }
0x8c: {  	[sflag:s29] =	ssyncset.done $0x0  }
0x8d: {  	s4 =	sadd.s32 $0x1800, s4;
	[sflag:s29] =	ssyncadd.s32 $0xFFFFC000  }
0x8e: {  	[hbm4b:s4+s3] =	stream.linear.scatter [tilespmem:s19], [sflag:$0x2], $0x4000, $0x38;
	[tilespmem:$0x10400] =	vst v63  }
0x8f: {  	_ =	swait.ge [sflag:s30], $0x4000  }
0x90: {  	[sflag:s30] =	ssyncset.done $0x0  }
0x91: {  	[sflag:s30] =	ssyncadd.s32 $0xFFFFC000  }
0x92: {  	v2 =	vld.msk [tilespmem:s31+$0xFFFFFFE8], $0xff;
	_ =	sdelay $0x4  }
0x93: {  	v3 =	vshll.u32 v2, $0x4  }
0x94: {  	v2 =	vand.u32 $0x7, v2;
	v3 =	vand.u32 $0xFFFFFF80, v3  }
0x95: {  	v2 =	vor.u32 v2, v3  }
0x96: {  	v2 =	vperm.xlane v2, v0;
	_ =	sdelay $0x1  }
0x97: {  	v2 =	vadd.s32 v1, v2;
	_ =	sdelay $0x4  }
0x98: {  	[tilespmem:s15], [sflag:$0x1] =	stream.indirect_vreg.gather [hbm4b:s2+s3], $0x80, v2, vm0, $0xb8;
	[tilespmem:$0x10400] =	vst v63  }
0x99: {  	s4 =	simm.s32 $0xC00  }
0x9a: {  	[tilespmem:s4], [sflag:$0x1] =	stream.indirect_vreg.gather [hbm4b:s5+s3], $0x80, v2, vm0, $0xb8;
	[tilespmem:$0x10400] =	vst v63  }
0x9b: {  	s12 =	simm.s32 $0x1400  }
0x9c: {  	[tilespmem:s12], [sflag:$0x1] =	stream.indirect_vreg.gather [hbm4b:s6+s3], $0x80, v2, vm0, $0xb8;
	[tilespmem:$0x10400] =	vst v63  }
0x9d: {  	s12 =	simm.s32 $0x1C00  }
0x9e: {  	[tilespmem:s12], [sflag:$0x1] =	stream.indirect_vreg.gather [hbm4b:s7+s3], $0x80, v2, vm0, $0xb8;
	[tilespmem:$0x10400] =	vst v63  }
0x9f: {  	s12 =	simm.s32 $0x2400  }
0xa0: {  	[tilespmem:s12], [sflag:$0x1] =	stream.indirect_vreg.gather [hbm4b:s8+s3], $0x80, v2, vm0, $0xb8;
	[tilespmem:$0x10400] =	vst v63  }
0xa1: {  	s12 =	simm.s32 $0x2C00  }
0xa2: {  	[tilespmem:s12], [sflag:$0x1] =	stream.indirect_vreg.gather [hbm4b:s9+s3], $0x80, v2, vm0, $0xb8;
	[tilespmem:$0x10400] =	vst v63  }
0xa3: {  	s12 =	simm.s32 $0x3400  }
0xa4: {  	[tilespmem:s12], [sflag:$0x1] =	stream.indirect_vreg.gather [hbm4b:s10+s3], $0x80, v2, vm0, $0xb8;
	[tilespmem:$0x10400] =	vst v63  }
0xa5: {  	s12 =	simm.s32 $0x3C00  }
0xa6: {  	[tilespmem:s12], [sflag:$0x1] =	stream.indirect_vreg.gather [hbm4b:s11+s3], $0x80, v2, vm0, $0xb8;
	[tilespmem:$0x10400] =	vst v63  }
0xa7: {  	_ =	swait.ge [sflag:s30], $0x4000  }
0xa8: {  	[sflag:s30] =	ssyncset.done $0x0  }
0xa9: {  	[sflag:s30] =	ssyncadd.s32 $0xFFFFC000  }
0xaa: {  	v2 =	vld.msk [tilespmem:s31+$0xFFFFFFF0], $0xff;
	_ =	sdelay $0x4  }
0xab: {  	v3 =	vshll.u32 v2, $0x4  }
0xac: {  	v2 =	vand.u32 $0x7, v2;
	v3 =	vand.u32 $0xFFFFFF80, v3  }
0xad: {  	v2 =	vor.u32 v2, v3  }
0xae: {  	v2 =	vperm.xlane v2, v0;
	_ =	sdelay $0x1  }
0xaf: {  	v2 =	vadd.s32 v1, v2;
	_ =	sdelay $0x4  }
0xb0: {  	[tilespmem:s23], [sflag:$0x1] =	stream.indirect_vreg.gather [hbm4b:s2+s3], $0x80, v2, vm0, $0xb8;
	[tilespmem:$0x10400] =	vst v63  }
0xb1: {  	s12 =	simm.s32 $0x4C00  }
0xb2: {  	[tilespmem:s12], [sflag:$0x1] =	stream.indirect_vreg.gather [hbm4b:s5+s3], $0x80, v2, vm0, $0xb8;
	[tilespmem:$0x10400] =	vst v63  }
0xb3: {  	s12 =	simm.s32 $0x5400  }
0xb4: {  	[tilespmem:s12], [sflag:$0x1] =	stream.indirect_vreg.gather [hbm4b:s6+s3], $0x80, v2, vm0, $0xb8;
	[tilespmem:$0x10400] =	vst v63  }
0xb5: {  	s12 =	simm.s32 $0x5C00  }
0xb6: {  	[tilespmem:s12], [sflag:$0x1] =	stream.indirect_vreg.gather [hbm4b:s7+s3], $0x80, v2, vm0, $0xb8;
	[tilespmem:$0x10400] =	vst v63  }
0xb7: {  	s12 =	simm.s32 $0x6400  }
0xb8: {  	[tilespmem:s12], [sflag:$0x1] =	stream.indirect_vreg.gather [hbm4b:s8+s3], $0x80, v2, vm0, $0xb8;
	[tilespmem:$0x10400] =	vst v63  }
0xb9: {  	s12 =	simm.s32 $0x6C00  }
0xba: {  	[tilespmem:s12], [sflag:$0x1] =	stream.indirect_vreg.gather [hbm4b:s9+s3], $0x80, v2, vm0, $0xb8;
	[tilespmem:$0x10400] =	vst v63  }
0xbb: {  	s12 =	simm.s32 $0x7400  }
0xbc: {  	[tilespmem:s12], [sflag:$0x1] =	stream.indirect_vreg.gather [hbm4b:s10+s3], $0x80, v2, vm0, $0xb8;
	[tilespmem:$0x10400] =	vst v63  }
0xbd: {  	s12 =	simm.s32 $0x7C00  }
0xbe: {  	[tilespmem:s12], [sflag:$0x1] =	stream.indirect_vreg.gather [hbm4b:s11+s3], $0x80, v2, vm0, $0xb8;
	[tilespmem:$0x10400] =	vst v63  }
0xbf: {  	_ =	swait.ge [sflag:s30], $0x4000  }
0xc0: {  	[sflag:s30] =	ssyncset.done $0x0  }
0xc1: {  	[sflag:s30] =	ssyncadd.s32 $0xFFFFC000  }
0xc2: {  	v2 =	vld.msk [tilespmem:s31+$0xFFFFFFF8], $0xff;
	_ =	sdelay $0x4  }
0xc3: {  	v3 =	vshll.u32 v2, $0x4  }
0xc4: {  	v2 =	vand.u32 $0x7, v2;
	v3 =	vand.u32 $0xFFFFFF80, v3  }
0xc5: {  	v2 =	vor.u32 v2, v3  }
0xc6: {  	v2 =	vperm.xlane v2, v0;
	_ =	sdelay $0x1  }
0xc7: {  	v2 =	vadd.s32 v1, v2;
	_ =	sdelay $0x4  }
0xc8: {  	[tilespmem:s1], [sflag:$0x1] =	stream.indirect_vreg.gather [hbm4b:s2+s3], $0x80, v2, vm0, $0xb8;
	[tilespmem:$0x10400] =	vst v63  }
0xc9: {  	s12 =	simm.s32 $0x8C00  }
0xca: {  	[tilespmem:s12], [sflag:$0x1] =	stream.indirect_vreg.gather [hbm4b:s5+s3], $0x80, v2, vm0, $0xb8;
	[tilespmem:$0x10400] =	vst v63  }
0xcb: {  	s12 =	simm.s32 $0x9400  }
0xcc: {  	[tilespmem:s12], [sflag:$0x1] =	stream.indirect_vreg.gather [hbm4b:s6+s3], $0x80, v2, vm0, $0xb8;
	[tilespmem:$0x10400] =	vst v63  }
0xcd: {  	s12 =	simm.s32 $0x9C00  }
0xce: {  	[tilespmem:s12], [sflag:$0x1] =	stream.indirect_vreg.gather [hbm4b:s7+s3], $0x80, v2, vm0, $0xb8;
	[tilespmem:$0x10400] =	vst v63  }
0xcf: {  	_ = 	snop  }
0xd0: {  	[tilespmem:s14], [sflag:$0x1] =	stream.indirect_vreg.gather [hbm4b:s8+s3], $0x80, v2, vm0, $0xb8;
	[tilespmem:$0x10400] =	vst v63  }
0xd1: {  	_ = 	snop  }
0xd2: {  	[tilespmem:s16], [sflag:$0x1] =	stream.indirect_vreg.gather [hbm4b:s9+s3], $0x80, v2, vm0, $0xb8;
	[tilespmem:$0x10400] =	vst v63  }
0xd3: {  	_ = 	snop  }
0xd4: {  	[tilespmem:s17], [sflag:$0x1] =	stream.indirect_vreg.gather [hbm4b:s10+s3], $0x80, v2, vm0, $0xb8;
	[tilespmem:$0x10400] =	vst v63  }
0xd5: {  	_ = 	snop  }
0xd6: {  	[tilespmem:s18], [sflag:$0x1] =	stream.indirect_vreg.gather [hbm4b:s11+s3], $0x80, v2, vm0, $0xb8;
	[tilespmem:$0x10400] =	vst v63  }
0xd7: {  	_ =	swait.ge [sflag:s30], $0x4000  }
0xd8: {  	[sflag:s30] =	ssyncset.done $0x0  }
0xd9: {  	[sflag:s30] =	ssyncadd.s32 $0xFFFFC000  }
0xda: {  	v2 =	vld.msk [tilespmem:s31+$0x0], $0xff;
	_ =	sdelay $0x4  }
0xdb: {  	v3 =	vshll.u32 v2, $0x4  }
0xdc: {  	v2 =	vand.u32 $0x7, v2;
	v3 =	vand.u32 $0xFFFFFF80, v3  }
0xdd: {  	v2 =	vor.u32 v2, v3  }
0xde: {  	v2 =	vperm.xlane v2, v0;
	_ =	sdelay $0x1  }
0xdf: {  	v2 =	vadd.s32 v1, v2;
	_ =	sdelay $0x4  }
0xe0: {  	[tilespmem:s19], [sflag:$0x1] =	stream.indirect_vreg.gather [hbm4b:s2+s3], $0x80, v2, vm0, $0xb8;
	[tilespmem:$0x10400] =	vst v63  }
0xe1: {  	_ = 	snop  }
0xe2: {  	[tilespmem:s20], [sflag:$0x1] =	stream.indirect_vreg.gather [hbm4b:s5+s3], $0x80, v2, vm0, $0xb8;
	[tilespmem:$0x10400] =	vst v63  }
0xe3: {  	_ = 	snop  }
0xe4: {  	[tilespmem:s21], [sflag:$0x1] =	stream.indirect_vreg.gather [hbm4b:s6+s3], $0x80, v2, vm0, $0xb8;
	[tilespmem:$0x10400] =	vst v63  }
0xe5: {  	_ = 	snop  }
0xe6: {  	[tilespmem:s22], [sflag:$0x1] =	stream.indirect_vreg.gather [hbm4b:s7+s3], $0x80, v2, vm0, $0xb8;
	[tilespmem:$0x10400] =	vst v63  }
0xe7: {  	_ = 	snop  }
0xe8: {  	[tilespmem:s24], [sflag:$0x1] =	stream.indirect_vreg.gather [hbm4b:s8+s3], $0x80, v2, vm0, $0xb8;
	[tilespmem:$0x10400] =	vst v63  }
0xe9: {  	_ = 	snop  }
0xea: {  	[tilespmem:s25], [sflag:$0x1] =	stream.indirect_vreg.gather [hbm4b:s9+s3], $0x80, v2, vm0, $0xb8;
	[tilespmem:$0x10400] =	vst v63  }
.Ltmp3:
0xeb: {  	_ = 	snop;
	(pc) =	sbr.rel .LBB2_2-.Ltmp3, $4  }
0xec: {  	_ = 	snop  }
0xed: {  	[tilespmem:s26], [sflag:$0x1] =	stream.indirect_vreg.gather [hbm4b:s10+s3], $0x80, v2, vm0, $0xb8;
	[tilespmem:$0x10400] =	vst v63  }
0xee: {  	s0 =	sadd.s32 $0x2000, s0;
	s31 =	sadd.s32 $0x20, s31  }
0xef: {  	[tilespmem:s28], [sflag:$0x1] =	stream.indirect_vreg.gather [hbm4b:s11+s3], $0x80, v2, vm0, $0xb8;
	[tilespmem:$0x10400] =	vst v63  }
.LBB2_5:
0xf0: {  	_ =	sfence.sel $0x180000  }
0xf1: {  	[bflag:$0x0] =	sbarrier.arrive $0xFFFF  }
0xf2: {  	_ =	strace $0x90000047  }
0xf3: {  	s0 =	stileid.u32;
	[bflag:$0x2] =	sbarrier.arrive $0xFFFF  }
0xf4: {  	p0 =	sne.s32 s0, $0x0;
	s0 =	rddreg [dreg:$0x3]  }
0xf5: {  	s0 =	sadd.s32 @!p0 $0x100000, s0  }
0xf6: {  	[sflag:s0] =	ssyncadd.tile.s32 @!p0 $0x1;
	_ =	shalt  }
.Lfunc_end2:
_tile_overlayer_lowered:
.L_overlay_start_2:
0xf7: {  	(tag) =	ssettag $0x2  }
0xf8: {  	s0 =	rddreg [dreg:$0x0];
	s2 =	stileid.u32  }
0xf9: {  	s1 =	rddreg [dreg:$0x1];
	p0 =	sne.s32 s2, $0x0  }
0xfa: {  	s3 =	rddreg [dreg:$0x2];
	[bflag:$0x3] =	sbarrier.arrive $0xFFFF;
	s2 =	simm.s32 @!p0 $0x1C03  }
0xfb: {  	[timem:s3], [sflag:s2] =	dma.local @!p0 [hbm:s0], s1  }
0xfc: {  	s0 =	simm.s32 @!p0 $0x3  }
0xfd: {  	_ =	swait.ge @!p0 [sflag:s0], s1  }
0xfe: {  	s1 =	ssub.s32 @!p0 $0x0, s1;
	[sflag:s0] =	ssyncset.done @!p0 $0x0  }
0xff: {  	[sflag:s0] =	ssyncadd.s32 @!p0 s1  }
0x100: {  	[bflag:$0x3] =	sbarrier.arrive $0xFFFF  }
0x101: {  	_ =	shalt  }

</sc_bundles>
